<compile_context>
chip_gen: v7x
topology: tpu7x:2x2x1
jax: 0.10.2.dev20260603
libtpu: 0.0.44.dev20260713+nightly
codegen_flags: <defaults>
</compile_context>

<pallas_src>
import functools

import jax
import jax.numpy as jnp
from jax import lax
from jax.experimental import pallas as pl
from jax.experimental.pallas import tpu as pltpu
from jax.experimental.pallas import tpu_sc as plsc

N = 10000
E = 320000
D = 128
CH = 128
NP = 10240
TILES = 32
CPT = 79
EP = TILES * CPT * CH
NB = NP // CH
RPT = NP // 16
TB = 128

_mesh = plsc.VectorSubcoreMesh(core_axis_name="c", subcore_axis_name="s")


def _make_sc(with_deg):
    out_type = [jax.ShapeDtypeStruct((2, NP, D), jnp.float32)]
    scratch = [
        pltpu.VMEM((CPT, CH), jnp.int32),
        pltpu.VMEM((CPT, CH), jnp.int32),
        pltpu.VMEM((CH, D), jnp.float32),
        pltpu.VMEM((RPT,), jnp.float32),
        pltpu.VMEM((CH,), jnp.float32),
        pltpu.VMEM_SHARED((NP, D), jnp.float32),
        pltpu.SemaphoreType.DMA,
    ]
    if with_deg:
        out_type.append(jax.ShapeDtypeStruct((2, NP), jnp.float32))
        scratch.append(pltpu.VMEM_SHARED((NP,), jnp.float32))

    def body(x_hbm, src_hbm, dst_hbm, p_hbm, *rest):
        if with_deg:
            deg_hbm, src_v, dst_v, rb, zbuf, ones_v, acc_sh, sem, deg_sh = rest
        else:
            src_v, dst_v, rb, zbuf, ones_v, acc_sh, sem = rest
        c = lax.axis_index("c")
        s = lax.axis_index("s")
        wid = c * 16 + s

        z16 = jnp.zeros((16,), jnp.float32)

        def zrow(i, carry):
            for k in range(D // 16):
                rb[i, pl.ds(k * 16, 16)] = z16
            return carry

        lax.fori_loop(0, CH, zrow, 0)

        def zz(i, carry):
            zbuf[pl.ds(i * 16, 16)] = z16
            return carry

        lax.fori_loop(0, RPT // 16, zz, 0)
        for k in range(CH // 16):
            ones_v[pl.ds(k * 16, 16)] = jnp.full((16,), 1.0, jnp.float32)

        pltpu.sync_copy(src_hbm.at[wid], src_v)
        pltpu.sync_copy(dst_hbm.at[wid], dst_v)

        for b in range(NB // 16):
            r = (s * (NB // 16) + b) * CH
            pltpu.sync_copy(rb, acc_sh.at[pl.ds(r, CH)])
        if with_deg:
            pltpu.sync_copy(zbuf, deg_sh.at[pl.ds(s * RPT, RPT)])
        plsc.subcore_barrier()

        def step(j, carry):
            pltpu.async_copy(x_hbm.at[src_v.at[j]], rb, sem).wait()
            pltpu.sync_copy(rb, acc_sh.at[dst_v.at[j]], add=True)
            if with_deg:
                pltpu.sync_copy(ones_v, deg_sh.at[dst_v.at[j]], add=True)
            return carry

        lax.fori_loop(0, CPT, step, 0)
        plsc.subcore_barrier()

        for b in range(NB // 16):
            r = (s * (NB // 16) + b) * CH
            pltpu.sync_copy(acc_sh.at[pl.ds(r, CH)], rb)
            pltpu.sync_copy(rb, p_hbm.at[c, pl.ds(r, CH)])
        if with_deg:
            pltpu.sync_copy(deg_sh.at[pl.ds(s * RPT, RPT)], zbuf)
            pltpu.sync_copy(zbuf, deg_hbm.at[c, pl.ds(s * RPT, RPT)])

    return pl.kernel(body, out_type=out_type, mesh=_mesh,
                     scratch_types=scratch)


_sc_layer1 = _make_sc(True)
_sc_layer2 = _make_sc(False)


def _t1_body(h_ref, w1s_ref, x_ref, s1_ref):
    hb = h_ref[...]
    x_ref[...] = hb.T
    s1_ref[...] = lax.dot_general(hb, w1s_ref[...], (((0,), (0,)), ((), ())),
                                  preferred_element_type=jnp.float32)


_t1 = pl.pallas_call(
    _t1_body,
    grid=(NP // TB,),
    in_specs=[pl.BlockSpec((D, TB), lambda i: (0, i)),
              pl.BlockSpec((D, D), lambda i: (0, 0))],
    out_specs=[pl.BlockSpec((TB, D), lambda i: (i, 0)),
               pl.BlockSpec((TB, D), lambda i: (i, 0))],
    out_shape=[jax.ShapeDtypeStruct((NP, D), jnp.float32),
               jax.ShapeDtypeStruct((NP, D), jnp.float32)],
)


def _t2_body(s1_ref, p_ref, deg_ref, w1n_ref, b1_ref, x1_ref):
    p = p_ref[0] + p_ref[1]
    dg = deg_ref[0] + deg_ref[1]
    dinv = 1.0 / jnp.maximum(dg, 1.0)
    agg = p * dinv[:, None]
    acc = (s1_ref[...]
           + lax.dot_general(agg, w1n_ref[...], (((1,), (0,)), ((), ())),
                             preferred_element_type=jnp.float32)
           + b1_ref[...])
    x1_ref[...] = jnp.maximum(acc, 0.0)


_t2 = pl.pallas_call(
    _t2_body,
    grid=(NP // TB,),
    in_specs=[pl.BlockSpec((TB, D), lambda i: (i, 0)),
              pl.BlockSpec((2, TB, D), lambda i: (0, i, 0)),
              pl.BlockSpec((2, TB), lambda i: (0, i)),
              pl.BlockSpec((D, D), lambda i: (0, 0)),
              pl.BlockSpec((1, D), lambda i: (0, 0))],
    out_specs=pl.BlockSpec((TB, D), lambda i: (i, 0)),
    out_shape=jax.ShapeDtypeStruct((NP, D), jnp.float32),
)


def _t3_body(x1_ref, p_ref, deg_ref, w2s_ref, w2n_ref, b2_ref, o_ref):
    p = p_ref[0] + p_ref[1]
    dg = deg_ref[0] + deg_ref[1]
    dinv = 1.0 / jnp.maximum(dg, 1.0)
    agg = p * dinv[:, None]
    acc = (lax.dot_general(w2s_ref[...], x1_ref[...], (((0,), (1,)), ((), ())),
                           preferred_element_type=jnp.float32)
           + lax.dot_general(w2n_ref[...], agg, (((0,), (1,)), ((), ())),
                             preferred_element_type=jnp.float32)
           + b2_ref[...][0][:, None])
    o_ref[...] = acc


_t3 = pl.pallas_call(
    _t3_body,
    grid=(NP // TB,),
    in_specs=[pl.BlockSpec((TB, D), lambda i: (i, 0)),
              pl.BlockSpec((2, TB, D), lambda i: (0, i, 0)),
              pl.BlockSpec((2, TB), lambda i: (0, i)),
              pl.BlockSpec((D, D), lambda i: (0, 0)),
              pl.BlockSpec((D, D), lambda i: (0, 0)),
              pl.BlockSpec((1, D), lambda i: (0, 0))],
    out_specs=pl.BlockSpec((D, TB), lambda i: (0, i)),
    out_shape=jax.ShapeDtypeStruct((D, NP), jnp.float32),
)


def kernel(h, edge_index, W1_self, W1_neigh, b1, W2_self, W2_neigh, b2):
    hp = jnp.pad(h, ((0, 0), (0, NP - N)))
    pad = EP - E
    srcp = jnp.concatenate(
        [edge_index[0], jnp.zeros((pad,), jnp.int32)]).reshape(TILES, CPT, CH)
    dstp = jnp.concatenate(
        [edge_index[1], jnp.full((pad,), N, jnp.int32)]).reshape(TILES, CPT, CH)

    x, s1 = _t1(hp, W1_self)
    p1, deg = _sc_layer1(x, srcp, dstp)
    x1 = _t2(s1, p1, deg, W1_neigh, b1.reshape(1, D))
    (p2,) = _sc_layer2(x1, srcp, dstp)
    out = _t3(x1, p2, deg, W2_self, W2_neigh, b2.reshape(1, D))
    return out[:, :N]

# --- scband reference (transcript-rebuilt; emitter-appended) ---
"""Pipeline reference for scband-graph-sage-16776142258592 (READ-ONLY COPY).

The authoritative reference and input builder live on the scoring server;
editing this copy changes nothing except your own understanding.
"""

import jax, jax.numpy as jnp
import numpy as np

N = 10000
E = 320000
D_IN = 128
D_HID = 128
D_OUT = 128


def setup_inputs(seed: int = 0):
    key = jax.random.key(seed)
    ks = jax.random.split(key, 6)
    h = jax.random.normal(ks[0], (D_IN, N), dtype=jnp.float32)
    edge_index = jax.random.randint(ks[1], (2, E), 0, N, dtype=jnp.int32)
    s1 = 1.0 / np.sqrt(D_IN)
    s2 = 1.0 / np.sqrt(D_HID)
    W1_self = jax.random.normal(ks[2], (D_IN, D_HID), dtype=jnp.float32) * s1
    W1_neigh = jax.random.normal(ks[3], (D_IN, D_HID), dtype=jnp.float32) * s1
    b1 = jnp.zeros((D_HID,), dtype=jnp.float32)
    W2_self = jax.random.normal(ks[4], (D_HID, D_OUT), dtype=jnp.float32) * s2
    W2_neigh = jax.random.normal(ks[5], (D_HID, D_OUT), dtype=jnp.float32) * s2
    b2 = jnp.zeros((D_OUT,), dtype=jnp.float32)
    return {"h": h, "edge_index": edge_index, "W1_self": W1_self, "W1_neigh": W1_neigh,
            "b1": b1, "W2_self": W2_self, "W2_neigh": W2_neigh, "b2": b2}


def _sage_conv(X, src, dst, deg_inv, W_self, W_neigh, b):
    # mean aggregator: gather neighbor (src) features, scatter-add to dst, normalize by degree
    msg = jnp.take(X, src, axis=0)
    agg = jax.ops.segment_sum(msg, dst, num_segments=N) * deg_inv[:, None]
    return X @ W_self + agg @ W_neigh + b


def reference(h, edge_index, W1_self, W1_neigh, b1, W2_self, W2_neigh, b2):
    # GraphSAGE.forward: h is [d, N]; transpose to [N, d], run convs, transpose back
    X = h.T
    src = edge_index[0]
    dst = edge_index[1]
    deg = jax.ops.segment_sum(jnp.ones((E,), dtype=jnp.float32), dst, num_segments=N)
    deg_inv = 1.0 / jnp.maximum(deg, 1.0)
    X1 = jax.nn.relu(_sage_conv(X, src, dst, deg_inv, W1_self, W1_neigh, b1))
    # dropout p=0 -> identity; last layer no activation (l_act=None)
    X2 = _sage_conv(X1, src, dst, deg_inv, W2_self, W2_neigh, b2)
    return X2.T

if __name__ == "__main__":
    import jax
    _d = setup_inputs()
    print(jax.jit(kernel)(*tuple(_d.values())))

</pallas_src>

<mosaic_0001>
#map = affine_map<(d0, d1) -> (0, 0)>
#map1 = affine_map<(d0, d1) -> (0, 0, 0)>
module attributes {stable_mosaic.version = 14 : i64} {
  func.func @body(%arg0: i32, %arg1: i32, %arg2: memref<10240x128xf32, #tpu.memory_space<hbm>>, %arg3: memref<32x79x128xi32, #tpu.memory_space<hbm>>, %arg4: memref<32x79x128xi32, #tpu.memory_space<hbm>>, %arg5: memref<2x10240x128xf32, #tpu.memory_space<hbm>>, %arg6: memref<2x10240xf32, #tpu.memory_space<hbm>>, %arg7: memref<79x128xi32, #tpu.memory_space<vmem>>, %arg8: memref<79x128xi32, #tpu.memory_space<vmem>>, %arg9: memref<128x128xf32, #tpu.memory_space<vmem>>, %arg10: memref<640xf32, #tpu.memory_space<vmem>>, %arg11: memref<128xf32, #tpu.memory_space<vmem>>, %arg12: memref<10240x128xf32, #tpu.memory_space<vmem_shared>>, %arg13: memref<!tpu.dma_semaphore, #tpu.memory_space<semaphore_mem>>, %arg14: memref<10240xf32, #tpu.memory_space<vmem_shared>>) attributes {dimension_semantics = [#tpu.dimension_semantics<core_parallel>, #tpu.dimension_semantics<subcore_parallel>], iteration_bounds = array<i64: 2, 16>, scalar_prefetch = 0 : i64, scratch_operands = 8 : i64, tpu.core_type = #tpu.core_type<sc_vector_subcore>, window_params = [{transform_indices = #map}, {transform_indices = #map1}, {transform_indices = #map1}, {transform_indices = #map1}, {transform_indices = #map}]} {
    %mul3A = arith.constant 16 : i32
    %mul3A_0 = arith.muli %arg0, %mul3A : i32
    %add3A = arith.addi %mul3A_0, %arg1 : i32
    %broadcast_in_dim3A = arith.constant 0.000000e+00 : f32
    %broadcast_in_dim3A_1 = vector.broadcast %broadcast_in_dim3A : f32 to vector<16xf32>
    %scan3A = arith.constant 0 : i32
    %scan3A_2 = arith.constant 0 : i32
    %scan3A_3 = arith.constant 128 : i32
    %scan3A_4 = arith.addi %scan3A_2, %scan3A_3 : i32
    %scan3A_5 = arith.constant 1 : i32
    scf.for %scan3A_133 = %scan3A_2 to %scan3A_4 step %scan3A_5  : i32 {
      %swap3A_134 = arith.index_cast %scan3A_133 : i32 to index
      %swap3A_135 = arith.constant 0 : index
      %swap3A_136 = tpu.vector_load %arg9[%swap3A_134, %swap3A_135] {strides = array<i32>} : memref<128x128xf32, #tpu.memory_space<vmem>>, vector<1x16xf32>,
      %swap3A_137 = vector.shape_cast %swap3A_136 : vector<1x16xf32> to vector<16xf32>
      %swap3A_138 = vector.shape_cast %broadcast_in_dim3A_1 : vector<16xf32> to vector<1x16xf32>
      tpu.vector_store %arg9[%swap3A_134, %swap3A_135], %swap3A_138 {strides = array<i32>} : memref<128x128xf32, #tpu.memory_space<vmem>>, vector<1x16xf32>,
      %swap3A_139 = arith.index_cast %scan3A_133 : i32 to index
      %swap3A_140 = arith.constant 16 : index
      %swap3A_141 = tpu.vector_load %arg9[%swap3A_139, %swap3A_140] {strides = array<i32>} : memref<128x128xf32, #tpu.memory_space<vmem>>, vector<1x16xf32>,
      %swap3A_142 = vector.shape_cast %swap3A_141 : vector<1x16xf32> to vector<16xf32>
      %swap3A_143 = vector.shape_cast %broadcast_in_dim3A_1 : vector<16xf32> to vector<1x16xf32>
      tpu.vector_store %arg9[%swap3A_139, %swap3A_140], %swap3A_143 {strides = array<i32>} : memref<128x128xf32, #tpu.memory_space<vmem>>, vector<1x16xf32>,
      %swap3A_144 = arith.index_cast %scan3A_133 : i32 to index
      %swap3A_145 = arith.constant 32 : index
      %swap3A_146 = tpu.vector_load %arg9[%swap3A_144, %swap3A_145] {strides = array<i32>} : memref<128x128xf32, #tpu.memory_space<vmem>>, vector<1x16xf32>,
      %swap3A_147 = vector.shape_cast %swap3A_146 : vector<1x16xf32> to vector<16xf32>
      %swap3A_148 = vector.shape_cast %broadcast_in_dim3A_1 : vector<16xf32> to vector<1x16xf32>
      tpu.vector_store %arg9[%swap3A_144, %swap3A_145], %swap3A_148 {strides = array<i32>} : memref<128x128xf32, #tpu.memory_space<vmem>>, vector<1x16xf32>,
      %swap3A_149 = arith.index_cast %scan3A_133 : i32 to index
      %swap3A_150 = arith.constant 48 : index
      %swap3A_151 = tpu.vector_load %arg9[%swap3A_149, %swap3A_150] {strides = array<i32>} : memref<128x128xf32, #tpu.memory_space<vmem>>, vector<1x16xf32>,
      %swap3A_152 = vector.shape_cast %swap3A_151 : vector<1x16xf32> to vector<16xf32>
      %swap3A_153 = vector.shape_cast %broadcast_in_dim3A_1 : vector<16xf32> to vector<1x16xf32>
      tpu.vector_store %arg9[%swap3A_149, %swap3A_150], %swap3A_153 {strides = array<i32>} : memref<128x128xf32, #tpu.memory_space<vmem>>, vector<1x16xf32>,
      %swap3A_154 = arith.index_cast %scan3A_133 : i32 to index
      %swap3A_155 = arith.constant 64 : index
      %swap3A_156 = tpu.vector_load %arg9[%swap3A_154, %swap3A_155] {strides = array<i32>} : memref<128x128xf32, #tpu.memory_space<vmem>>, vector<1x16xf32>,
      %swap3A_157 = vector.shape_cast %swap3A_156 : vector<1x16xf32> to vector<16xf32>
      %swap3A_158 = vector.shape_cast %broadcast_in_dim3A_1 : vector<16xf32> to vector<1x16xf32>
      tpu.vector_store %arg9[%swap3A_154, %swap3A_155], %swap3A_158 {strides = array<i32>} : memref<128x128xf32, #tpu.memory_space<vmem>>, vector<1x16xf32>,
      %swap3A_159 = arith.index_cast %scan3A_133 : i32 to index
      %swap3A_160 = arith.constant 80 : index
      %swap3A_161 = tpu.vector_load %arg9[%swap3A_159, %swap3A_160] {strides = array<i32>} : memref<128x128xf32, #tpu.memory_space<vmem>>, vector<1x16xf32>,
      %swap3A_162 = vector.shape_cast %swap3A_161 : vector<1x16xf32> to vector<16xf32>
      %swap3A_163 = vector.shape_cast %broadcast_in_dim3A_1 : vector<16xf32> to vector<1x16xf32>
      tpu.vector_store %arg9[%swap3A_159, %swap3A_160], %swap3A_163 {strides = array<i32>} : memref<128x128xf32, #tpu.memory_space<vmem>>, vector<1x16xf32>,
      %swap3A_164 = arith.index_cast %scan3A_133 : i32 to index
      %swap3A_165 = arith.constant 96 : index
      %swap3A_166 = tpu.vector_load %arg9[%swap3A_164, %swap3A_165] {strides = array<i32>} : memref<128x128xf32, #tpu.memory_space<vmem>>, vector<1x16xf32>,
      %swap3A_167 = vector.shape_cast %swap3A_166 : vector<1x16xf32> to vector<16xf32>
      %swap3A_168 = vector.shape_cast %broadcast_in_dim3A_1 : vector<16xf32> to vector<1x16xf32>
      tpu.vector_store %arg9[%swap3A_164, %swap3A_165], %swap3A_168 {strides = array<i32>} : memref<128x128xf32, #tpu.memory_space<vmem>>, vector<1x16xf32>,
      %swap3A_169 = arith.index_cast %scan3A_133 : i32 to index
      %swap3A_170 = arith.constant 112 : index
      %swap3A_171 = tpu.vector_load %arg9[%swap3A_169, %swap3A_170] {strides = array<i32>} : memref<128x128xf32, #tpu.memory_space<vmem>>, vector<1x16xf32>,
      %swap3A_172 = vector.shape_cast %swap3A_171 : vector<1x16xf32> to vector<16xf32>
      %swap3A_173 = vector.shape_cast %broadcast_in_dim3A_1 : vector<16xf32> to vector<1x16xf32>
      tpu.vector_store %arg9[%swap3A_169, %swap3A_170], %swap3A_173 {strides = array<i32>} : memref<128x128xf32, #tpu.memory_space<vmem>>, vector<1x16xf32>,
    }
    %scan3A_6 = arith.constant 128 : i32
    %scan3A_7 = arith.constant 0 : i32
    %scan3A_8 = arith.constant 0 : i32
    %scan3A_9 = arith.constant 40 : i32
    %scan3A_10 = arith.addi %scan3A_8, %scan3A_9 : i32
    %scan3A_11 = arith.constant 1 : i32
    scf.for %scan3A_133 = %scan3A_8 to %scan3A_10 step %scan3A_11  : i32 {
      %mul3A_134 = arith.constant 16 : i32
      %mul3A_135 = arith.muli %scan3A_133, %mul3A_134 : i32
      %swap3A_136 = arith.index_cast %mul3A_135 : i32 to index
      %swap3A_137 = tpu.vector_load %arg10[%swap3A_136] {strides = array<i32>} : memref<640xf32, #tpu.memory_space<vmem>>, vector<16xf32>,
      %swap3A_138 = vector.shape_cast %swap3A_137 : vector<16xf32> to vector<16xf32>
      %swap3A_139 = vector.shape_cast %broadcast_in_dim3A_1 : vector<16xf32> to vector<16xf32>
      tpu.vector_store %arg10[%swap3A_136], %swap3A_139 {strides = array<i32>} : memref<640xf32, #tpu.memory_space<vmem>>, vector<16xf32>,
    }
    %scan3A_12 = arith.constant 40 : i32
    %broadcast_in_dim3A_13 = arith.constant 1.000000e+00 : f32
    %broadcast_in_dim3A_14 = vector.broadcast %broadcast_in_dim3A_13 : f32 to vector<16xf32>
    %swap3A = arith.constant 0 : index
    %swap3A_15 = tpu.vector_load %arg11[%swap3A] {strides = array<i32>} : memref<128xf32, #tpu.memory_space<vmem>>, vector<16xf32>,
    %swap3A_16 = vector.shape_cast %swap3A_15 : vector<16xf32> to vector<16xf32>
    %swap3A_17 = vector.shape_cast %broadcast_in_dim3A_14 : vector<16xf32> to vector<16xf32>
    tpu.vector_store %arg11[%swap3A], %swap3A_17 {strides = array<i32>} : memref<128xf32, #tpu.memory_space<vmem>>, vector<16xf32>,
    %broadcast_in_dim3A_18 = arith.constant 1.000000e+00 : f32
    %broadcast_in_dim3A_19 = vector.broadcast %broadcast_in_dim3A_18 : f32 to vector<16xf32>
    %swap3A_20 = arith.constant 16 : index
    %swap3A_21 = tpu.vector_load %arg11[%swap3A_20] {strides = array<i32>} : memref<128xf32, #tpu.memory_space<vmem>>, vector<16xf32>,
    %swap3A_22 = vector.shape_cast %swap3A_21 : vector<16xf32> to vector<16xf32>
    %swap3A_23 = vector.shape_cast %broadcast_in_dim3A_19 : vector<16xf32> to vector<16xf32>
    tpu.vector_store %arg11[%swap3A_20], %swap3A_23 {strides = array<i32>} : memref<128xf32, #tpu.memory_space<vmem>>, vector<16xf32>,
    %broadcast_in_dim3A_24 = arith.constant 1.000000e+00 : f32
    %broadcast_in_dim3A_25 = vector.broadcast %broadcast_in_dim3A_24 : f32 to vector<16xf32>
    %swap3A_26 = arith.constant 32 : index
    %swap3A_27 = tpu.vector_load %arg11[%swap3A_26] {strides = array<i32>} : memref<128xf32, #tpu.memory_space<vmem>>, vector<16xf32>,
    %swap3A_28 = vector.shape_cast %swap3A_27 : vector<16xf32> to vector<16xf32>
    %swap3A_29 = vector.shape_cast %broadcast_in_dim3A_25 : vector<16xf32> to vector<16xf32>
    tpu.vector_store %arg11[%swap3A_26], %swap3A_29 {strides = array<i32>} : memref<128xf32, #tpu.memory_space<vmem>>, vector<16xf32>,
    %broadcast_in_dim3A_30 = arith.constant 1.000000e+00 : f32
    %broadcast_in_dim3A_31 = vector.broadcast %broadcast_in_dim3A_30 : f32 to vector<16xf32>
    %swap3A_32 = arith.constant 48 : index
    %swap3A_33 = tpu.vector_load %arg11[%swap3A_32] {strides = array<i32>} : memref<128xf32, #tpu.memory_space<vmem>>, vector<16xf32>,
    %swap3A_34 = vector.shape_cast %swap3A_33 : vector<16xf32> to vector<16xf32>
    %swap3A_35 = vector.shape_cast %broadcast_in_dim3A_31 : vector<16xf32> to vector<16xf32>
    tpu.vector_store %arg11[%swap3A_32], %swap3A_35 {strides = array<i32>} : memref<128xf32, #tpu.memory_space<vmem>>, vector<16xf32>,
    %broadcast_in_dim3A_36 = arith.constant 1.000000e+00 : f32
    %broadcast_in_dim3A_37 = vector.broadcast %broadcast_in_dim3A_36 : f32 to vector<16xf32>
    %swap3A_38 = arith.constant 64 : index
    %swap3A_39 = tpu.vector_load %arg11[%swap3A_38] {strides = array<i32>} : memref<128xf32, #tpu.memory_space<vmem>>, vector<16xf32>,
    %swap3A_40 = vector.shape_cast %swap3A_39 : vector<16xf32> to vector<16xf32>
    %swap3A_41 = vector.shape_cast %broadcast_in_dim3A_37 : vector<16xf32> to vector<16xf32>
    tpu.vector_store %arg11[%swap3A_38], %swap3A_41 {strides = array<i32>} : memref<128xf32, #tpu.memory_space<vmem>>, vector<16xf32>,
    %broadcast_in_dim3A_42 = arith.constant 1.000000e+00 : f32
    %broadcast_in_dim3A_43 = vector.broadcast %broadcast_in_dim3A_42 : f32 to vector<16xf32>
    %swap3A_44 = arith.constant 80 : index
    %swap3A_45 = tpu.vector_load %arg11[%swap3A_44] {strides = array<i32>} : memref<128xf32, #tpu.memory_space<vmem>>, vector<16xf32>,
    %swap3A_46 = vector.shape_cast %swap3A_45 : vector<16xf32> to vector<16xf32>
    %swap3A_47 = vector.shape_cast %broadcast_in_dim3A_43 : vector<16xf32> to vector<16xf32>
    tpu.vector_store %arg11[%swap3A_44], %swap3A_47 {strides = array<i32>} : memref<128xf32, #tpu.memory_space<vmem>>, vector<16xf32>,
    %broadcast_in_dim3A_48 = arith.constant 1.000000e+00 : f32
    %broadcast_in_dim3A_49 = vector.broadcast %broadcast_in_dim3A_48 : f32 to vector<16xf32>
    %swap3A_50 = arith.constant 96 : index
    %swap3A_51 = tpu.vector_load %arg11[%swap3A_50] {strides = array<i32>} : memref<128xf32, #tpu.memory_space<vmem>>, vector<16xf32>,
    %swap3A_52 = vector.shape_cast %swap3A_51 : vector<16xf32> to vector<16xf32>
    %swap3A_53 = vector.shape_cast %broadcast_in_dim3A_49 : vector<16xf32> to vector<16xf32>
    tpu.vector_store %arg11[%swap3A_50], %swap3A_53 {strides = array<i32>} : memref<128xf32, #tpu.memory_space<vmem>>, vector<16xf32>,
    %broadcast_in_dim3A_54 = arith.constant 1.000000e+00 : f32
    %broadcast_in_dim3A_55 = vector.broadcast %broadcast_in_dim3A_54 : f32 to vector<16xf32>
    %swap3A_56 = arith.constant 112 : index
    %swap3A_57 = tpu.vector_load %arg11[%swap3A_56] {strides = array<i32>} : memref<128xf32, #tpu.memory_space<vmem>>, vector<16xf32>,
    %swap3A_58 = vector.shape_cast %swap3A_57 : vector<16xf32> to vector<16xf32>
    %swap3A_59 = vector.shape_cast %broadcast_in_dim3A_55 : vector<16xf32> to vector<16xf32>
    tpu.vector_store %arg11[%swap3A_56], %swap3A_59 {strides = array<i32>} : memref<128xf32, #tpu.memory_space<vmem>>, vector<16xf32>,
    "tpu.region"() ({
      %run_scoped3A = tpu.sem_alloc : memref<!tpu.dma_semaphore, #tpu.memory_space<semaphore_mem>>
      %dma_start3A = arith.constant 0 : i32
      %dma_start3A_133 = arith.constant 0 : i32
      %dma_start3A_134 = tpu.memref_slice %arg3[%add3A, %dma_start3A, %dma_start3A_133] : memref<32x79x128xi32, #tpu.memory_space<hbm>> -> memref<1x79x128xi32, #tpu.memory_space<hbm>>
      %dma_start3A_135 = tpu.memref_squeeze %dma_start3A_134 : memref<1x79x128xi32, #tpu.memory_space<hbm>> -> memref<79x128xi32, #tpu.memory_space<hbm>>
      %dma_start3A_136 = arith.constant 0 : i32
      %dma_start3A_137 = arith.constant 0 : i32
      %dma_start3A_138 = tpu.memref_slice %arg3[%add3A, %dma_start3A_136, %dma_start3A_137] : memref<32x79x128xi32, #tpu.memory_space<hbm>> -> memref<1x79x128xi32, #tpu.memory_space<hbm>>
      %dma_start3A_139 = tpu.memref_squeeze %dma_start3A_138 : memref<1x79x128xi32, #tpu.memory_space<hbm>> -> memref<79x128xi32, #tpu.memory_space<hbm>>
      tpu.enqueue_dma source(%dma_start3A_139 : memref<79x128xi32, #tpu.memory_space<hbm>>) target(%arg7 : memref<79x128xi32, #tpu.memory_space<vmem>>) target_semaphore(%run_scoped3A : memref<!tpu.dma_semaphore, #tpu.memory_space<semaphore_mem>>)
      %dma_wait3A = arith.constant 0 : i32
      %dma_wait3A_140 = arith.constant 0 : i32
      %dma_wait3A_141 = tpu.memref_slice %arg3[%add3A, %dma_wait3A, %dma_wait3A_140] : memref<32x79x128xi32, #tpu.memory_space<hbm>> -> memref<1x79x128xi32, #tpu.memory_space<hbm>>
      %dma_wait3A_142 = tpu.memref_squeeze %dma_wait3A_141 : memref<1x79x128xi32, #tpu.memory_space<hbm>> -> memref<79x128xi32, #tpu.memory_space<hbm>>
      %dma_wait3A_143 = arith.constant 0 : i32
      %dma_wait3A_144 = arith.constant 0 : i32
      %dma_wait3A_145 = tpu.memref_slice %arg3[%add3A, %dma_wait3A_143, %dma_wait3A_144] : memref<32x79x128xi32, #tpu.memory_space<hbm>> -> memref<1x79x128xi32, #tpu.memory_space<hbm>>
      %dma_wait3A_146 = tpu.memref_squeeze %dma_wait3A_145 : memref<1x79x128xi32, #tpu.memory_space<hbm>> -> memref<79x128xi32, #tpu.memory_space<hbm>>
      tpu.wait_dma2 semaphore(%run_scoped3A : memref<!tpu.dma_semaphore, #tpu.memory_space<semaphore_mem>>) src(%dma_wait3A_146 : memref<79x128xi32, #tpu.memory_space<hbm>>) dst(%arg7 : memref<79x128xi32, #tpu.memory_space<vmem>>)
      tpu.yield
    }) : () -> ()
    "tpu.region"() ({
      %run_scoped3A = tpu.sem_alloc : memref<!tpu.dma_semaphore, #tpu.memory_space<semaphore_mem>>
      %dma_start3A = arith.constant 0 : i32
      %dma_start3A_133 = arith.constant 0 : i32
      %dma_start3A_134 = tpu.memref_slice %arg4[%add3A, %dma_start3A, %dma_start3A_133] : memref<32x79x128xi32, #tpu.memory_space<hbm>> -> memref<1x79x128xi32, #tpu.memory_space<hbm>>
      %dma_start3A_135 = tpu.memref_squeeze %dma_start3A_134 : memref<1x79x128xi32, #tpu.memory_space<hbm>> -> memref<79x128xi32, #tpu.memory_space<hbm>>
      %dma_start3A_136 = arith.constant 0 : i32
      %dma_start3A_137 = arith.constant 0 : i32
      %dma_start3A_138 = tpu.memref_slice %arg4[%add3A, %dma_start3A_136, %dma_start3A_137] : memref<32x79x128xi32, #tpu.memory_space<hbm>> -> memref<1x79x128xi32, #tpu.memory_space<hbm>>
      %dma_start3A_139 = tpu.memref_squeeze %dma_start3A_138 : memref<1x79x128xi32, #tpu.memory_space<hbm>> -> memref<79x128xi32, #tpu.memory_space<hbm>>
      tpu.enqueue_dma source(%dma_start3A_139 : memref<79x128xi32, #tpu.memory_space<hbm>>) target(%arg8 : memref<79x128xi32, #tpu.memory_space<vmem>>) target_semaphore(%run_scoped3A : memref<!tpu.dma_semaphore, #tpu.memory_space<semaphore_mem>>)
      %dma_wait3A = arith.constant 0 : i32
      %dma_wait3A_140 = arith.constant 0 : i32
      %dma_wait3A_141 = tpu.memref_slice %arg4[%add3A, %dma_wait3A, %dma_wait3A_140] : memref<32x79x128xi32, #tpu.memory_space<hbm>> -> memref<1x79x128xi32, #tpu.memory_space<hbm>>
      %dma_wait3A_142 = tpu.memref_squeeze %dma_wait3A_141 : memref<1x79x128xi32, #tpu.memory_space<hbm>> -> memref<79x128xi32, #tpu.memory_space<hbm>>
      %dma_wait3A_143 = arith.constant 0 : i32
      %dma_wait3A_144 = arith.constant 0 : i32
      %dma_wait3A_145 = tpu.memref_slice %arg4[%add3A, %dma_wait3A_143, %dma_wait3A_144] : memref<32x79x128xi32, #tpu.memory_space<hbm>> -> memref<1x79x128xi32, #tpu.memory_space<hbm>>
      %dma_wait3A_146 = tpu.memref_squeeze %dma_wait3A_145 : memref<1x79x128xi32, #tpu.memory_space<hbm>> -> memref<79x128xi32, #tpu.memory_space<hbm>>
      tpu.wait_dma2 semaphore(%run_scoped3A : memref<!tpu.dma_semaphore, #tpu.memory_space<semaphore_mem>>) src(%dma_wait3A_146 : memref<79x128xi32, #tpu.memory_space<hbm>>) dst(%arg8 : memref<79x128xi32, #tpu.memory_space<vmem>>)
      tpu.yield
    }) : () -> ()
    %mul3A_60 = arith.constant 5 : i32
    %mul3A_61 = arith.muli %arg1, %mul3A_60 : i32
    %add3A_62 = arith.constant 0 : i32
    %add3A_63 = arith.addi %mul3A_61, %add3A_62 : i32
    %mul3A_64 = arith.constant 128 : i32
    %mul3A_65 = arith.muli %add3A_63, %mul3A_64 : i32
    "tpu.region"() ({
      %run_scoped3A = tpu.sem_alloc : memref<!tpu.dma_semaphore, #tpu.memory_space<semaphore_mem>>
      %dma_start3A = arith.constant 0 : i32
      %dma_start3A_133 = tpu.memref_slice %arg12[%mul3A_65, %dma_start3A] : memref<10240x128xf32, #tpu.memory_space<vmem_shared>> -> memref<128x128xf32, #tpu.memory_space<vmem_shared>>
      %dma_start3A_134 = arith.constant 0 : i32
      %dma_start3A_135 = tpu.memref_slice %arg12[%mul3A_65, %dma_start3A_134] : memref<10240x128xf32, #tpu.memory_space<vmem_shared>> -> memref<128x128xf32, #tpu.memory_space<vmem_shared>>
      tpu.enqueue_dma source(%arg9 : memref<128x128xf32, #tpu.memory_space<vmem>>) target(%dma_start3A_135 : memref<128x128xf32, #tpu.memory_space<vmem_shared>>) target_semaphore(%run_scoped3A : memref<!tpu.dma_semaphore, #tpu.memory_space<semaphore_mem>>)
      %dma_wait3A = arith.constant 0 : i32
      %dma_wait3A_136 = tpu.memref_slice %arg12[%mul3A_65, %dma_wait3A] : memref<10240x128xf32, #tpu.memory_space<vmem_shared>> -> memref<128x128xf32, #tpu.memory_space<vmem_shared>>
      %dma_wait3A_137 = arith.constant 0 : i32
      %dma_wait3A_138 = tpu.memref_slice %arg12[%mul3A_65, %dma_wait3A_137] : memref<10240x128xf32, #tpu.memory_space<vmem_shared>> -> memref<128x128xf32, #tpu.memory_space<vmem_shared>>
      tpu.wait_dma2 semaphore(%run_scoped3A : memref<!tpu.dma_semaphore, #tpu.memory_space<semaphore_mem>>) src(%arg9 : memref<128x128xf32, #tpu.memory_space<vmem>>) dst(%dma_wait3A_138 : memref<128x128xf32, #tpu.memory_space<vmem_shared>>)
      tpu.yield
    }) : () -> ()
    %mul3A_66 = arith.constant 5 : i32
    %mul3A_67 = arith.muli %arg1, %mul3A_66 : i32
    %add3A_68 = arith.constant 1 : i32
    %add3A_69 = arith.addi %mul3A_67, %add3A_68 : i32
    %mul3A_70 = arith.constant 128 : i32
    %mul3A_71 = arith.muli %add3A_69, %mul3A_70 : i32
    "tpu.region"() ({
      %run_scoped3A = tpu.sem_alloc : memref<!tpu.dma_semaphore, #tpu.memory_space<semaphore_mem>>
      %dma_start3A = arith.constant 0 : i32
      %dma_start3A_133 = tpu.memref_slice %arg12[%mul3A_71, %dma_start3A] : memref<10240x128xf32, #tpu.memory_space<vmem_shared>> -> memref<128x128xf32, #tpu.memory_space<vmem_shared>>
      %dma_start3A_134 = arith.constant 0 : i32
      %dma_start3A_135 = tpu.memref_slice %arg12[%mul3A_71, %dma_start3A_134] : memref<10240x128xf32, #tpu.memory_space<vmem_shared>> -> memref<128x128xf32, #tpu.memory_space<vmem_shared>>
      tpu.enqueue_dma source(%arg9 : memref<128x128xf32, #tpu.memory_space<vmem>>) target(%dma_start3A_135 : memref<128x128xf32, #tpu.memory_space<vmem_shared>>) target_semaphore(%run_scoped3A : memref<!tpu.dma_semaphore, #tpu.memory_space<semaphore_mem>>)
      %dma_wait3A = arith.constant 0 : i32
      %dma_wait3A_136 = tpu.memref_slice %arg12[%mul3A_71, %dma_wait3A] : memref<10240x128xf32, #tpu.memory_space<vmem_shared>> -> memref<128x128xf32, #tpu.memory_space<vmem_shared>>
      %dma_wait3A_137 = arith.constant 0 : i32
      %dma_wait3A_138 = tpu.memref_slice %arg12[%mul3A_71, %dma_wait3A_137] : memref<10240x128xf32, #tpu.memory_space<vmem_shared>> -> memref<128x128xf32, #tpu.memory_space<vmem_shared>>
      tpu.wait_dma2 semaphore(%run_scoped3A : memref<!tpu.dma_semaphore, #tpu.memory_space<semaphore_mem>>) src(%arg9 : memref<128x128xf32, #tpu.memory_space<vmem>>) dst(%dma_wait3A_138 : memref<128x128xf32, #tpu.memory_space<vmem_shared>>)
      tpu.yield
    }) : () -> ()
    %mul3A_72 = arith.constant 5 : i32
    %mul3A_73 = arith.muli %arg1, %mul3A_72 : i32
    %add3A_74 = arith.constant 2 : i32
    %add3A_75 = arith.addi %mul3A_73, %add3A_74 : i32
    %mul3A_76 = arith.constant 128 : i32
    %mul3A_77 = arith.muli %add3A_75, %mul3A_76 : i32
    "tpu.region"() ({
      %run_scoped3A = tpu.sem_alloc : memref<!tpu.dma_semaphore, #tpu.memory_space<semaphore_mem>>
      %dma_start3A = arith.constant 0 : i32
      %dma_start3A_133 = tpu.memref_slice %arg12[%mul3A_77, %dma_start3A] : memref<10240x128xf32, #tpu.memory_space<vmem_shared>> -> memref<128x128xf32, #tpu.memory_space<vmem_shared>>
      %dma_start3A_134 = arith.constant 0 : i32
      %dma_start3A_135 = tpu.memref_slice %arg12[%mul3A_77, %dma_start3A_134] : memref<10240x128xf32, #tpu.memory_space<vmem_shared>> -> memref<128x128xf32, #tpu.memory_space<vmem_shared>>
      tpu.enqueue_dma source(%arg9 : memref<128x128xf32, #tpu.memory_space<vmem>>) target(%dma_start3A_135 : memref<128x128xf32, #tpu.memory_space<vmem_shared>>) target_semaphore(%run_scoped3A : memref<!tpu.dma_semaphore, #tpu.memory_space<semaphore_mem>>)
      %dma_wait3A = arith.constant 0 : i32
      %dma_wait3A_136 = tpu.memref_slice %arg12[%mul3A_77, %dma_wait3A] : memref<10240x128xf32, #tpu.memory_space<vmem_shared>> -> memref<128x128xf32, #tpu.memory_space<vmem_shared>>
      %dma_wait3A_137 = arith.constant 0 : i32
      %dma_wait3A_138 = tpu.memref_slice %arg12[%mul3A_77, %dma_wait3A_137] : memref<10240x128xf32, #tpu.memory_space<vmem_shared>> -> memref<128x128xf32, #tpu.memory_space<vmem_shared>>
      tpu.wait_dma2 semaphore(%run_scoped3A : memref<!tpu.dma_semaphore, #tpu.memory_space<semaphore_mem>>) src(%arg9 : memref<128x128xf32, #tpu.memory_space<vmem>>) dst(%dma_wait3A_138 : memref<128x128xf32, #tpu.memory_space<vmem_shared>>)
      tpu.yield
    }) : () -> ()
    %mul3A_78 = arith.constant 5 : i32
    %mul3A_79 = arith.muli %arg1, %mul3A_78 : i32
    %add3A_80 = arith.constant 3 : i32
    %add3A_81 = arith.addi %mul3A_79, %add3A_80 : i32
    %mul3A_82 = arith.constant 128 : i32
    %mul3A_83 = arith.muli %add3A_81, %mul3A_82 : i32
    "tpu.region"() ({
      %run_scoped3A = tpu.sem_alloc : memref<!tpu.dma_semaphore, #tpu.memory_space<semaphore_mem>>
      %dma_start3A = arith.constant 0 : i32
      %dma_start3A_133 = tpu.memref_slice %arg12[%mul3A_83, %dma_start3A] : memref<10240x128xf32, #tpu.memory_space<vmem_shared>> -> memref<128x128xf32, #tpu.memory_space<vmem_shared>>
      %dma_start3A_134 = arith.constant 0 : i32
      %dma_start3A_135 = tpu.memref_slice %arg12[%mul3A_83, %dma_start3A_134] : memref<10240x128xf32, #tpu.memory_space<vmem_shared>> -> memref<128x128xf32, #tpu.memory_space<vmem_shared>>
      tpu.enqueue_dma source(%arg9 : memref<128x128xf32, #tpu.memory_space<vmem>>) target(%dma_start3A_135 : memref<128x128xf32, #tpu.memory_space<vmem_shared>>) target_semaphore(%run_scoped3A : memref<!tpu.dma_semaphore, #tpu.memory_space<semaphore_mem>>)
      %dma_wait3A = arith.constant 0 : i32
      %dma_wait3A_136 = tpu.memref_slice %arg12[%mul3A_83, %dma_wait3A] : memref<10240x128xf32, #tpu.memory_space<vmem_shared>> -> memref<128x128xf32, #tpu.memory_space<vmem_shared>>
      %dma_wait3A_137 = arith.constant 0 : i32
      %dma_wait3A_138 = tpu.memref_slice %arg12[%mul3A_83, %dma_wait3A_137] : memref<10240x128xf32, #tpu.memory_space<vmem_shared>> -> memref<128x128xf32, #tpu.memory_space<vmem_shared>>
      tpu.wait_dma2 semaphore(%run_scoped3A : memref<!tpu.dma_semaphore, #tpu.memory_space<semaphore_mem>>) src(%arg9 : memref<128x128xf32, #tpu.memory_space<vmem>>) dst(%dma_wait3A_138 : memref<128x128xf32, #tpu.memory_space<vmem_shared>>)
      tpu.yield
    }) : () -> ()
    %mul3A_84 = arith.constant 5 : i32
    %mul3A_85 = arith.muli %arg1, %mul3A_84 : i32
    %add3A_86 = arith.constant 4 : i32
    %add3A_87 = arith.addi %mul3A_85, %add3A_86 : i32
    %mul3A_88 = arith.constant 128 : i32
    %mul3A_89 = arith.muli %add3A_87, %mul3A_88 : i32
    "tpu.region"() ({
      %run_scoped3A = tpu.sem_alloc : memref<!tpu.dma_semaphore, #tpu.memory_space<semaphore_mem>>
      %dma_start3A = arith.constant 0 : i32
      %dma_start3A_133 = tpu.memref_slice %arg12[%mul3A_89, %dma_start3A] : memref<10240x128xf32, #tpu.memory_space<vmem_shared>> -> memref<128x128xf32, #tpu.memory_space<vmem_shared>>
      %dma_start3A_134 = arith.constant 0 : i32
      %dma_start3A_135 = tpu.memref_slice %arg12[%mul3A_89, %dma_start3A_134] : memref<10240x128xf32, #tpu.memory_space<vmem_shared>> -> memref<128x128xf32, #tpu.memory_space<vmem_shared>>
      tpu.enqueue_dma source(%arg9 : memref<128x128xf32, #tpu.memory_space<vmem>>) target(%dma_start3A_135 : memref<128x128xf32, #tpu.memory_space<vmem_shared>>) target_semaphore(%run_scoped3A : memref<!tpu.dma_semaphore, #tpu.memory_space<semaphore_mem>>)
      %dma_wait3A = arith.constant 0 : i32
      %dma_wait3A_136 = tpu.memref_slice %arg12[%mul3A_89, %dma_wait3A] : memref<10240x128xf32, #tpu.memory_space<vmem_shared>> -> memref<128x128xf32, #tpu.memory_space<vmem_shared>>
      %dma_wait3A_137 = arith.constant 0 : i32
      %dma_wait3A_138 = tpu.memref_slice %arg12[%mul3A_89, %dma_wait3A_137] : memref<10240x128xf32, #tpu.memory_space<vmem_shared>> -> memref<128x128xf32, #tpu.memory_space<vmem_shared>>
      tpu.wait_dma2 semaphore(%run_scoped3A : memref<!tpu.dma_semaphore, #tpu.memory_space<semaphore_mem>>) src(%arg9 : memref<128x128xf32, #tpu.memory_space<vmem>>) dst(%dma_wait3A_138 : memref<128x128xf32, #tpu.memory_space<vmem_shared>>)
      tpu.yield
    }) : () -> ()
    %mul3A_90 = arith.constant 640 : i32
    %mul3A_91 = arith.muli %arg1, %mul3A_90 : i32
    "tpu.region"() ({
      %run_scoped3A = tpu.sem_alloc : memref<!tpu.dma_semaphore, #tpu.memory_space<semaphore_mem>>
      %dma_start3A = tpu.memref_slice %arg14[%mul3A_91] : memref<10240xf32, #tpu.memory_space<vmem_shared>> -> memref<640xf32, #tpu.memory_space<vmem_shared>>
      %dma_start3A_133 = tpu.memref_slice %arg14[%mul3A_91] : memref<10240xf32, #tpu.memory_space<vmem_shared>> -> memref<640xf32, #tpu.memory_space<vmem_shared>>
      tpu.enqueue_dma source(%arg10 : memref<640xf32, #tpu.memory_space<vmem>>) target(%dma_start3A_133 : memref<640xf32, #tpu.memory_space<vmem_shared>>) target_semaphore(%run_scoped3A : memref<!tpu.dma_semaphore, #tpu.memory_space<semaphore_mem>>)
      %dma_wait3A = tpu.memref_slice %arg14[%mul3A_91] : memref<10240xf32, #tpu.memory_space<vmem_shared>> -> memref<640xf32, #tpu.memory_space<vmem_shared>>
      %dma_wait3A_134 = tpu.memref_slice %arg14[%mul3A_91] : memref<10240xf32, #tpu.memory_space<vmem_shared>> -> memref<640xf32, #tpu.memory_space<vmem_shared>>
      tpu.wait_dma2 semaphore(%run_scoped3A : memref<!tpu.dma_semaphore, #tpu.memory_space<semaphore_mem>>) src(%arg10 : memref<640xf32, #tpu.memory_space<vmem>>) dst(%dma_wait3A_134 : memref<640xf32, #tpu.memory_space<vmem_shared>>)
      tpu.yield
    }) : () -> ()
    %barrier3A = arith.constant 0 : index
    tpu.barrier barrier_id(%barrier3A)
    %scan3A_92 = arith.constant 0 : i32
    %scan3A_93 = arith.constant 0 : i32
    %scan3A_94 = arith.constant 79 : i32
    %scan3A_95 = arith.addi %scan3A_93, %scan3A_94 : i32
    %scan3A_96 = arith.constant 1 : i32
    scf.for %scan3A_133 = %scan3A_93 to %scan3A_95 step %scan3A_96  : i32 {
      %dma_start3A = arith.constant 0 : i32
      %dma_start3A_134 = tpu.memref_slice %arg7[%scan3A_133, %dma_start3A] : memref<79x128xi32, #tpu.memory_space<vmem>> -> memref<1x128xi32, #tpu.memory_space<vmem>>
      %dma_start3A_135 = tpu.memref_squeeze %dma_start3A_134 : memref<1x128xi32, #tpu.memory_space<vmem>> -> memref<128xi32, #tpu.memory_space<vmem>>
      %dma_start3A_136 = arith.constant 0 : i32
      %dma_start3A_137 = arith.constant 0 : i32
      %dma_start3A_138 = tpu.memref_slice %arg2[%dma_start3A_136, %dma_start3A_137] : memref<10240x128xf32, #tpu.memory_space<hbm>> -> memref<10240x128xf32, #tpu.memory_space<hbm>>
      tpu.enqueue_indirect_dma source(%dma_start3A_138 : memref<10240x128xf32, #tpu.memory_space<hbm>>) target(%arg9 : memref<128x128xf32, #tpu.memory_space<vmem>>) offsets(%dma_start3A_135 : memref<128xi32, #tpu.memory_space<vmem>>) semaphore(%arg13 : memref<!tpu.dma_semaphore, #tpu.memory_space<semaphore_mem>>)
      %dma_wait3A = arith.constant 0 : i32
      %dma_wait3A_139 = tpu.memref_slice %arg7[%scan3A_133, %dma_wait3A] : memref<79x128xi32, #tpu.memory_space<vmem>> -> memref<1x128xi32, #tpu.memory_space<vmem>>
      %dma_wait3A_140 = tpu.memref_squeeze %dma_wait3A_139 : memref<1x128xi32, #tpu.memory_space<vmem>> -> memref<128xi32, #tpu.memory_space<vmem>>
      %dma_wait3A_141 = arith.constant 0 : i32
      %dma_wait3A_142 = arith.constant 0 : i32
      %dma_wait3A_143 = tpu.memref_slice %arg2[%dma_wait3A_141, %dma_wait3A_142] : memref<10240x128xf32, #tpu.memory_space<hbm>> -> memref<10240x128xf32, #tpu.memory_space<hbm>>
      tpu.wait_indirect_dma semaphore(%arg13 : memref<!tpu.dma_semaphore, #tpu.memory_space<semaphore_mem>>) src(%dma_wait3A_143 : memref<10240x128xf32, #tpu.memory_space<hbm>>) dst(%arg9 : memref<128x128xf32, #tpu.memory_space<vmem>>)
      "tpu.region"() ({
        %run_scoped3A = tpu.sem_alloc : memref<!tpu.dma_semaphore, #tpu.memory_space<semaphore_mem>>
        %dma_start3A_144 = arith.constant 0 : i32
        %dma_start3A_145 = tpu.memref_slice %arg8[%scan3A_133, %dma_start3A_144] : memref<79x128xi32, #tpu.memory_space<vmem>> -> memref<1x128xi32, #tpu.memory_space<vmem>>
        %dma_start3A_146 = tpu.memref_squeeze %dma_start3A_145 : memref<1x128xi32, #tpu.memory_space<vmem>> -> memref<128xi32, #tpu.memory_space<vmem>>
        %dma_start3A_147 = arith.constant 0 : i32
        %dma_start3A_148 = arith.constant 0 : i32
        %dma_start3A_149 = tpu.memref_slice %arg12[%dma_start3A_147, %dma_start3A_148] : memref<10240x128xf32, #tpu.memory_space<vmem_shared>> -> memref<10240x128xf32, #tpu.memory_space<vmem_shared>>
        tpu.enqueue_indirect_dma source(%arg9 : memref<128x128xf32, #tpu.memory_space<vmem>>) target(%dma_start3A_149 : memref<10240x128xf32, #tpu.memory_space<vmem_shared>>) offsets(%dma_start3A_146 : memref<128xi32, #tpu.memory_space<vmem>>) semaphore(%run_scoped3A : memref<!tpu.dma_semaphore, #tpu.memory_space<semaphore_mem>>) {add = true}
        %dma_wait3A_150 = arith.constant 0 : i32
        %dma_wait3A_151 = tpu.memref_slice %arg8[%scan3A_133, %dma_wait3A_150] : memref<79x128xi32, #tpu.memory_space<vmem>> -> memref<1x128xi32, #tpu.memory_space<vmem>>
        %dma_wait3A_152 = tpu.memref_squeeze %dma_wait3A_151 : memref<1x128xi32, #tpu.memory_space<vmem>> -> memref<128xi32, #tpu.memory_space<vmem>>
        %dma_wait3A_153 = arith.constant 0 : i32
        %dma_wait3A_154 = arith.constant 0 : i32
        %dma_wait3A_155 = tpu.memref_slice %arg12[%dma_wait3A_153, %dma_wait3A_154] : memref<10240x128xf32, #tpu.memory_space<vmem_shared>> -> memref<10240x128xf32, #tpu.memory_space<vmem_shared>>
        tpu.wait_indirect_dma semaphore(%run_scoped3A : memref<!tpu.dma_semaphore, #tpu.memory_space<semaphore_mem>>) src(%arg9 : memref<128x128xf32, #tpu.memory_space<vmem>>) dst(%dma_wait3A_155 : memref<10240x128xf32, #tpu.memory_space<vmem_shared>>)
        tpu.yield
      }) : () -> ()
      "tpu.region"() ({
        %run_scoped3A = tpu.sem_alloc : memref<!tpu.dma_semaphore, #tpu.memory_space<semaphore_mem>>
        %dma_start3A_144 = arith.constant 0 : i32
        %dma_start3A_145 = tpu.memref_slice %arg8[%scan3A_133, %dma_start3A_144] : memref<79x128xi32, #tpu.memory_space<vmem>> -> memref<1x128xi32, #tpu.memory_space<vmem>>
        %dma_start3A_146 = tpu.memref_squeeze %dma_start3A_145 : memref<1x128xi32, #tpu.memory_space<vmem>> -> memref<128xi32, #tpu.memory_space<vmem>>
        %dma_start3A_147 = arith.constant 0 : i32
        %dma_start3A_148 = tpu.memref_slice %arg14[%dma_start3A_147] : memref<10240xf32, #tpu.memory_space<vmem_shared>> -> memref<10240xf32, #tpu.memory_space<vmem_shared>>
        tpu.enqueue_indirect_dma source(%arg11 : memref<128xf32, #tpu.memory_space<vmem>>) target(%dma_start3A_148 : memref<10240xf32, #tpu.memory_space<vmem_shared>>) offsets(%dma_start3A_146 : memref<128xi32, #tpu.memory_space<vmem>>) semaphore(%run_scoped3A : memref<!tpu.dma_semaphore, #tpu.memory_space<semaphore_mem>>) {add = true}
        %dma_wait3A_149 = arith.constant 0 : i32
        %dma_wait3A_150 = tpu.memref_slice %arg8[%scan3A_133, %dma_wait3A_149] : memref<79x128xi32, #tpu.memory_space<vmem>> -> memref<1x128xi32, #tpu.memory_space<vmem>>
        %dma_wait3A_151 = tpu.memref_squeeze %dma_wait3A_150 : memref<1x128xi32, #tpu.memory_space<vmem>> -> memref<128xi32, #tpu.memory_space<vmem>>
        %dma_wait3A_152 = arith.constant 0 : i32
        %dma_wait3A_153 = tpu.memref_slice %arg14[%dma_wait3A_152] : memref<10240xf32, #tpu.memory_space<vmem_shared>> -> memref<10240xf32, #tpu.memory_space<vmem_shared>>
        tpu.wait_indirect_dma semaphore(%run_scoped3A : memref<!tpu.dma_semaphore, #tpu.memory_space<semaphore_mem>>) src(%arg11 : memref<128xf32, #tpu.memory_space<vmem>>) dst(%dma_wait3A_153 : memref<10240xf32, #tpu.memory_space<vmem_shared>>)
        tpu.yield
      }) : () -> ()
    }
    %scan3A_97 = arith.constant 79 : i32
    %barrier3A_98 = arith.constant 0 : index
    tpu.barrier barrier_id(%barrier3A_98)
    %mul3A_99 = arith.constant 5 : i32
    %mul3A_100 = arith.muli %arg1, %mul3A_99 : i32
    %add3A_101 = arith.constant 0 : i32
    %add3A_102 = arith.addi %mul3A_100, %add3A_101 : i32
    %mul3A_103 = arith.constant 128 : i32
    %mul3A_104 = arith.muli %add3A_102, %mul3A_103 : i32
    "tpu.region"() ({
      %run_scoped3A = tpu.sem_alloc : memref<!tpu.dma_semaphore, #tpu.memory_space<semaphore_mem>>
      %dma_start3A = arith.constant 0 : i32
      %dma_start3A_133 = tpu.memref_slice %arg12[%mul3A_104, %dma_start3A] : memref<10240x128xf32, #tpu.memory_space<vmem_shared>> -> memref<128x128xf32, #tpu.memory_space<vmem_shared>>
      %dma_start3A_134 = arith.constant 0 : i32
      %dma_start3A_135 = tpu.memref_slice %arg12[%mul3A_104, %dma_start3A_134] : memref<10240x128xf32, #tpu.memory_space<vmem_shared>> -> memref<128x128xf32, #tpu.memory_space<vmem_shared>>
      tpu.enqueue_dma source(%dma_start3A_135 : memref<128x128xf32, #tpu.memory_space<vmem_shared>>) target(%arg9 : memref<128x128xf32, #tpu.memory_space<vmem>>) target_semaphore(%run_scoped3A : memref<!tpu.dma_semaphore, #tpu.memory_space<semaphore_mem>>)
      %dma_wait3A = arith.constant 0 : i32
      %dma_wait3A_136 = tpu.memref_slice %arg12[%mul3A_104, %dma_wait3A] : memref<10240x128xf32, #tpu.memory_space<vmem_shared>> -> memref<128x128xf32, #tpu.memory_space<vmem_shared>>
      %dma_wait3A_137 = arith.constant 0 : i32
      %dma_wait3A_138 = tpu.memref_slice %arg12[%mul3A_104, %dma_wait3A_137] : memref<10240x128xf32, #tpu.memory_space<vmem_shared>> -> memref<128x128xf32, #tpu.memory_space<vmem_shared>>
      tpu.wait_dma2 semaphore(%run_scoped3A : memref<!tpu.dma_semaphore, #tpu.memory_space<semaphore_mem>>) src(%dma_wait3A_138 : memref<128x128xf32, #tpu.memory_space<vmem_shared>>) dst(%arg9 : memref<128x128xf32, #tpu.memory_space<vmem>>)
      tpu.yield
    }) : () -> ()
    "tpu.region"() ({
      %run_scoped3A = tpu.sem_alloc : memref<!tpu.dma_semaphore, #tpu.memory_space<semaphore_mem>>
      %dma_start3A = arith.constant 0 : i32
      %dma_start3A_133 = tpu.memref_slice %arg5[%arg0, %mul3A_104, %dma_start3A] : memref<2x10240x128xf32, #tpu.memory_space<hbm>> -> memref<1x128x128xf32, #tpu.memory_space<hbm>>
      %dma_start3A_134 = tpu.memref_squeeze %dma_start3A_133 : memref<1x128x128xf32, #tpu.memory_space<hbm>> -> memref<128x128xf32, #tpu.memory_space<hbm>>
      %dma_start3A_135 = arith.constant 0 : i32
      %dma_start3A_136 = tpu.memref_slice %arg5[%arg0, %mul3A_104, %dma_start3A_135] : memref<2x10240x128xf32, #tpu.memory_space<hbm>> -> memref<1x128x128xf32, #tpu.memory_space<hbm>>
      %dma_start3A_137 = tpu.memref_squeeze %dma_start3A_136 : memref<1x128x128xf32, #tpu.memory_space<hbm>> -> memref<128x128xf32, #tpu.memory_space<hbm>>
      tpu.enqueue_dma source(%arg9 : memref<128x128xf32, #tpu.memory_space<vmem>>) target(%dma_start3A_137 : memref<128x128xf32, #tpu.memory_space<hbm>>) target_semaphore(%run_scoped3A : memref<!tpu.dma_semaphore, #tpu.memory_space<semaphore_mem>>)
      %dma_wait3A = arith.constant 0 : i32
      %dma_wait3A_138 = tpu.memref_slice %arg5[%arg0, %mul3A_104, %dma_wait3A] : memref<2x10240x128xf32, #tpu.memory_space<hbm>> -> memref<1x128x128xf32, #tpu.memory_space<hbm>>
      %dma_wait3A_139 = tpu.memref_squeeze %dma_wait3A_138 : memref<1x128x128xf32, #tpu.memory_space<hbm>> -> memref<128x128xf32, #tpu.memory_space<hbm>>
      %dma_wait3A_140 = arith.constant 0 : i32
      %dma_wait3A_141 = tpu.memref_slice %arg5[%arg0, %mul3A_104, %dma_wait3A_140] : memref<2x10240x128xf32, #tpu.memory_space<hbm>> -> memref<1x128x128xf32, #tpu.memory_space<hbm>>
      %dma_wait3A_142 = tpu.memref_squeeze %dma_wait3A_141 : memref<1x128x128xf32, #tpu.memory_space<hbm>> -> memref<128x128xf32, #tpu.memory_space<hbm>>
      tpu.wait_dma2 semaphore(%run_scoped3A : memref<!tpu.dma_semaphore, #tpu.memory_space<semaphore_mem>>) src(%arg9 : memref<128x128xf32, #tpu.memory_space<vmem>>) dst(%dma_wait3A_142 : memref<128x128xf32, #tpu.memory_space<hbm>>)
      tpu.yield
    }) : () -> ()
    %mul3A_105 = arith.constant 5 : i32
    %mul3A_106 = arith.muli %arg1, %mul3A_105 : i32
    %add3A_107 = arith.constant 1 : i32
    %add3A_108 = arith.addi %mul3A_106, %add3A_107 : i32
    %mul3A_109 = arith.constant 128 : i32
    %mul3A_110 = arith.muli %add3A_108, %mul3A_109 : i32
    "tpu.region"() ({
      %run_scoped3A = tpu.sem_alloc : memref<!tpu.dma_semaphore, #tpu.memory_space<semaphore_mem>>
      %dma_start3A = arith.constant 0 : i32
      %dma_start3A_133 = tpu.memref_slice %arg12[%mul3A_110, %dma_start3A] : memref<10240x128xf32, #tpu.memory_space<vmem_shared>> -> memref<128x128xf32, #tpu.memory_space<vmem_shared>>
      %dma_start3A_134 = arith.constant 0 : i32
      %dma_start3A_135 = tpu.memref_slice %arg12[%mul3A_110, %dma_start3A_134] : memref<10240x128xf32, #tpu.memory_space<vmem_shared>> -> memref<128x128xf32, #tpu.memory_space<vmem_shared>>
      tpu.enqueue_dma source(%dma_start3A_135 : memref<128x128xf32, #tpu.memory_space<vmem_shared>>) target(%arg9 : memref<128x128xf32, #tpu.memory_space<vmem>>) target_semaphore(%run_scoped3A : memref<!tpu.dma_semaphore, #tpu.memory_space<semaphore_mem>>)
      %dma_wait3A = arith.constant 0 : i32
      %dma_wait3A_136 = tpu.memref_slice %arg12[%mul3A_110, %dma_wait3A] : memref<10240x128xf32, #tpu.memory_space<vmem_shared>> -> memref<128x128xf32, #tpu.memory_space<vmem_shared>>
      %dma_wait3A_137 = arith.constant 0 : i32
      %dma_wait3A_138 = tpu.memref_slice %arg12[%mul3A_110, %dma_wait3A_137] : memref<10240x128xf32, #tpu.memory_space<vmem_shared>> -> memref<128x128xf32, #tpu.memory_space<vmem_shared>>
      tpu.wait_dma2 semaphore(%run_scoped3A : memref<!tpu.dma_semaphore, #tpu.memory_space<semaphore_mem>>) src(%dma_wait3A_138 : memref<128x128xf32, #tpu.memory_space<vmem_shared>>) dst(%arg9 : memref<128x128xf32, #tpu.memory_space<vmem>>)
      tpu.yield
    }) : () -> ()
    "tpu.region"() ({
      %run_scoped3A = tpu.sem_alloc : memref<!tpu.dma_semaphore, #tpu.memory_space<semaphore_mem>>
      %dma_start3A = arith.constant 0 : i32
      %dma_start3A_133 = tpu.memref_slice %arg5[%arg0, %mul3A_110, %dma_start3A] : memref<2x10240x128xf32, #tpu.memory_space<hbm>> -> memref<1x128x128xf32, #tpu.memory_space<hbm>>
      %dma_start3A_134 = tpu.memref_squeeze %dma_start3A_133 : memref<1x128x128xf32, #tpu.memory_space<hbm>> -> memref<128x128xf32, #tpu.memory_space<hbm>>
      %dma_start3A_135 = arith.constant 0 : i32
      %dma_start3A_136 = tpu.memref_slice %arg5[%arg0, %mul3A_110, %dma_start3A_135] : memref<2x10240x128xf32, #tpu.memory_space<hbm>> -> memref<1x128x128xf32, #tpu.memory_space<hbm>>
      %dma_start3A_137 = tpu.memref_squeeze %dma_start3A_136 : memref<1x128x128xf32, #tpu.memory_space<hbm>> -> memref<128x128xf32, #tpu.memory_space<hbm>>
      tpu.enqueue_dma source(%arg9 : memref<128x128xf32, #tpu.memory_space<vmem>>) target(%dma_start3A_137 : memref<128x128xf32, #tpu.memory_space<hbm>>) target_semaphore(%run_scoped3A : memref<!tpu.dma_semaphore, #tpu.memory_space<semaphore_mem>>)
      %dma_wait3A = arith.constant 0 : i32
      %dma_wait3A_138 = tpu.memref_slice %arg5[%arg0, %mul3A_110, %dma_wait3A] : memref<2x10240x128xf32, #tpu.memory_space<hbm>> -> memref<1x128x128xf32, #tpu.memory_space<hbm>>
      %dma_wait3A_139 = tpu.memref_squeeze %dma_wait3A_138 : memref<1x128x128xf32, #tpu.memory_space<hbm>> -> memref<128x128xf32, #tpu.memory_space<hbm>>
      %dma_wait3A_140 = arith.constant 0 : i32
      %dma_wait3A_141 = tpu.memref_slice %arg5[%arg0, %mul3A_110, %dma_wait3A_140] : memref<2x10240x128xf32, #tpu.memory_space<hbm>> -> memref<1x128x128xf32, #tpu.memory_space<hbm>>
      %dma_wait3A_142 = tpu.memref_squeeze %dma_wait3A_141 : memref<1x128x128xf32, #tpu.memory_space<hbm>> -> memref<128x128xf32, #tpu.memory_space<hbm>>
      tpu.wait_dma2 semaphore(%run_scoped3A : memref<!tpu.dma_semaphore, #tpu.memory_space<semaphore_mem>>) src(%arg9 : memref<128x128xf32, #tpu.memory_space<vmem>>) dst(%dma_wait3A_142 : memref<128x128xf32, #tpu.memory_space<hbm>>)
      tpu.yield
    }) : () -> ()
    %mul3A_111 = arith.constant 5 : i32
    %mul3A_112 = arith.muli %arg1, %mul3A_111 : i32
    %add3A_113 = arith.constant 2 : i32
    %add3A_114 = arith.addi %mul3A_112, %add3A_113 : i32
    %mul3A_115 = arith.constant 128 : i32
    %mul3A_116 = arith.muli %add3A_114, %mul3A_115 : i32
    "tpu.region"() ({
      %run_scoped3A = tpu.sem_alloc : memref<!tpu.dma_semaphore, #tpu.memory_space<semaphore_mem>>
      %dma_start3A = arith.constant 0 : i32
      %dma_start3A_133 = tpu.memref_slice %arg12[%mul3A_116, %dma_start3A] : memref<10240x128xf32, #tpu.memory_space<vmem_shared>> -> memref<128x128xf32, #tpu.memory_space<vmem_shared>>
      %dma_start3A_134 = arith.constant 0 : i32
      %dma_start3A_135 = tpu.memref_slice %arg12[%mul3A_116, %dma_start3A_134] : memref<10240x128xf32, #tpu.memory_space<vmem_shared>> -> memref<128x128xf32, #tpu.memory_space<vmem_shared>>
      tpu.enqueue_dma source(%dma_start3A_135 : memref<128x128xf32, #tpu.memory_space<vmem_shared>>) target(%arg9 : memref<128x128xf32, #tpu.memory_space<vmem>>) target_semaphore(%run_scoped3A : memref<!tpu.dma_semaphore, #tpu.memory_space<semaphore_mem>>)
      %dma_wait3A = arith.constant 0 : i32
      %dma_wait3A_136 = tpu.memref_slice %arg12[%mul3A_116, %dma_wait3A] : memref<10240x128xf32, #tpu.memory_space<vmem_shared>> -> memref<128x128xf32, #tpu.memory_space<vmem_shared>>
      %dma_wait3A_137 = arith.constant 0 : i32
      %dma_wait3A_138 = tpu.memref_slice %arg12[%mul3A_116, %dma_wait3A_137] : memref<10240x128xf32, #tpu.memory_space<vmem_shared>> -> memref<128x128xf32, #tpu.memory_space<vmem_shared>>
      tpu.wait_dma2 semaphore(%run_scoped3A : memref<!tpu.dma_semaphore, #tpu.memory_space<semaphore_mem>>) src(%dma_wait3A_138 : memref<128x128xf32, #tpu.memory_space<vmem_shared>>) dst(%arg9 : memref<128x128xf32, #tpu.memory_space<vmem>>)
      tpu.yield
    }) : () -> ()
    "tpu.region"() ({
      %run_scoped3A = tpu.sem_alloc : memref<!tpu.dma_semaphore, #tpu.memory_space<semaphore_mem>>
      %dma_start3A = arith.constant 0 : i32
      %dma_start3A_133 = tpu.memref_slice %arg5[%arg0, %mul3A_116, %dma_start3A] : memref<2x10240x128xf32, #tpu.memory_space<hbm>> -> memref<1x128x128xf32, #tpu.memory_space<hbm>>
      %dma_start3A_134 = tpu.memref_squeeze %dma_start3A_133 : memref<1x128x128xf32, #tpu.memory_space<hbm>> -> memref<128x128xf32, #tpu.memory_space<hbm>>
      %dma_start3A_135 = arith.constant 0 : i32
      %dma_start3A_136 = tpu.memref_slice %arg5[%arg0, %mul3A_116, %dma_start3A_135] : memref<2x10240x128xf32, #tpu.memory_space<hbm>> -> memref<1x128x128xf32, #tpu.memory_space<hbm>>
      %dma_start3A_137 = tpu.memref_squeeze %dma_start3A_136 : memref<1x128x128xf32, #tpu.memory_space<hbm>> -> memref<128x128xf32, #tpu.memory_space<hbm>>
      tpu.enqueue_dma source(%arg9 : memref<128x128xf32, #tpu.memory_space<vmem>>) target(%dma_start3A_137 : memref<128x128xf32, #tpu.memory_space<hbm>>) target_semaphore(%run_scoped3A : memref<!tpu.dma_semaphore, #tpu.memory_space<semaphore_mem>>)
      %dma_wait3A = arith.constant 0 : i32
      %dma_wait3A_138 = tpu.memref_slice %arg5[%arg0, %mul3A_116, %dma_wait3A] : memref<2x10240x128xf32, #tpu.memory_space<hbm>> -> memref<1x128x128xf32, #tpu.memory_space<hbm>>
      %dma_wait3A_139 = tpu.memref_squeeze %dma_wait3A_138 : memref<1x128x128xf32, #tpu.memory_space<hbm>> -> memref<128x128xf32, #tpu.memory_space<hbm>>
      %dma_wait3A_140 = arith.constant 0 : i32
      %dma_wait3A_141 = tpu.memref_slice %arg5[%arg0, %mul3A_116, %dma_wait3A_140] : memref<2x10240x128xf32, #tpu.memory_space<hbm>> -> memref<1x128x128xf32, #tpu.memory_space<hbm>>
      %dma_wait3A_142 = tpu.memref_squeeze %dma_wait3A_141 : memref<1x128x128xf32, #tpu.memory_space<hbm>> -> memref<128x128xf32, #tpu.memory_space<hbm>>
      tpu.wait_dma2 semaphore(%run_scoped3A : memref<!tpu.dma_semaphore, #tpu.memory_space<semaphore_mem>>) src(%arg9 : memref<128x128xf32, #tpu.memory_space<vmem>>) dst(%dma_wait3A_142 : memref<128x128xf32, #tpu.memory_space<hbm>>)
      tpu.yield
    }) : () -> ()
    %mul3A_117 = arith.constant 5 : i32
    %mul3A_118 = arith.muli %arg1, %mul3A_117 : i32
    %add3A_119 = arith.constant 3 : i32
    %add3A_120 = arith.addi %mul3A_118, %add3A_119 : i32
    %mul3A_121 = arith.constant 128 : i32
    %mul3A_122 = arith.muli %add3A_120, %mul3A_121 : i32
    "tpu.region"() ({
      %run_scoped3A = tpu.sem_alloc : memref<!tpu.dma_semaphore, #tpu.memory_space<semaphore_mem>>
      %dma_start3A = arith.constant 0 : i32
      %dma_start3A_133 = tpu.memref_slice %arg12[%mul3A_122, %dma_start3A] : memref<10240x128xf32, #tpu.memory_space<vmem_shared>> -> memref<128x128xf32, #tpu.memory_space<vmem_shared>>
      %dma_start3A_134 = arith.constant 0 : i32
      %dma_start3A_135 = tpu.memref_slice %arg12[%mul3A_122, %dma_start3A_134] : memref<10240x128xf32, #tpu.memory_space<vmem_shared>> -> memref<128x128xf32, #tpu.memory_space<vmem_shared>>
      tpu.enqueue_dma source(%dma_start3A_135 : memref<128x128xf32, #tpu.memory_space<vmem_shared>>) target(%arg9 : memref<128x128xf32, #tpu.memory_space<vmem>>) target_semaphore(%run_scoped3A : memref<!tpu.dma_semaphore, #tpu.memory_space<semaphore_mem>>)
      %dma_wait3A = arith.constant 0 : i32
      %dma_wait3A_136 = tpu.memref_slice %arg12[%mul3A_122, %dma_wait3A] : memref<10240x128xf32, #tpu.memory_space<vmem_shared>> -> memref<128x128xf32, #tpu.memory_space<vmem_shared>>
      %dma_wait3A_137 = arith.constant 0 : i32
      %dma_wait3A_138 = tpu.memref_slice %arg12[%mul3A_122, %dma_wait3A_137] : memref<10240x128xf32, #tpu.memory_space<vmem_shared>> -> memref<128x128xf32, #tpu.memory_space<vmem_shared>>
      tpu.wait_dma2 semaphore(%run_scoped3A : memref<!tpu.dma_semaphore, #tpu.memory_space<semaphore_mem>>) src(%dma_wait3A_138 : memref<128x128xf32, #tpu.memory_space<vmem_shared>>) dst(%arg9 : memref<128x128xf32, #tpu.memory_space<vmem>>)
      tpu.yield
    }) : () -> ()
    "tpu.region"() ({
      %run_scoped3A = tpu.sem_alloc : memref<!tpu.dma_semaphore, #tpu.memory_space<semaphore_mem>>
      %dma_start3A = arith.constant 0 : i32
      %dma_start3A_133 = tpu.memref_slice %arg5[%arg0, %mul3A_122, %dma_start3A] : memref<2x10240x128xf32, #tpu.memory_space<hbm>> -> memref<1x128x128xf32, #tpu.memory_space<hbm>>
      %dma_start3A_134 = tpu.memref_squeeze %dma_start3A_133 : memref<1x128x128xf32, #tpu.memory_space<hbm>> -> memref<128x128xf32, #tpu.memory_space<hbm>>
      %dma_start3A_135 = arith.constant 0 : i32
      %dma_start3A_136 = tpu.memref_slice %arg5[%arg0, %mul3A_122, %dma_start3A_135] : memref<2x10240x128xf32, #tpu.memory_space<hbm>> -> memref<1x128x128xf32, #tpu.memory_space<hbm>>
      %dma_start3A_137 = tpu.memref_squeeze %dma_start3A_136 : memref<1x128x128xf32, #tpu.memory_space<hbm>> -> memref<128x128xf32, #tpu.memory_space<hbm>>
      tpu.enqueue_dma source(%arg9 : memref<128x128xf32, #tpu.memory_space<vmem>>) target(%dma_start3A_137 : memref<128x128xf32, #tpu.memory_space<hbm>>) target_semaphore(%run_scoped3A : memref<!tpu.dma_semaphore, #tpu.memory_space<semaphore_mem>>)
      %dma_wait3A = arith.constant 0 : i32
      %dma_wait3A_138 = tpu.memref_slice %arg5[%arg0, %mul3A_122, %dma_wait3A] : memref<2x10240x128xf32, #tpu.memory_space<hbm>> -> memref<1x128x128xf32, #tpu.memory_space<hbm>>
      %dma_wait3A_139 = tpu.memref_squeeze %dma_wait3A_138 : memref<1x128x128xf32, #tpu.memory_space<hbm>> -> memref<128x128xf32, #tpu.memory_space<hbm>>
      %dma_wait3A_140 = arith.constant 0 : i32
      %dma_wait3A_141 = tpu.memref_slice %arg5[%arg0, %mul3A_122, %dma_wait3A_140] : memref<2x10240x128xf32, #tpu.memory_space<hbm>> -> memref<1x128x128xf32, #tpu.memory_space<hbm>>
      %dma_wait3A_142 = tpu.memref_squeeze %dma_wait3A_141 : memref<1x128x128xf32, #tpu.memory_space<hbm>> -> memref<128x128xf32, #tpu.memory_space<hbm>>
      tpu.wait_dma2 semaphore(%run_scoped3A : memref<!tpu.dma_semaphore, #tpu.memory_space<semaphore_mem>>) src(%arg9 : memref<128x128xf32, #tpu.memory_space<vmem>>) dst(%dma_wait3A_142 : memref<128x128xf32, #tpu.memory_space<hbm>>)
      tpu.yield
    }) : () -> ()
    %mul3A_123 = arith.constant 5 : i32
    %mul3A_124 = arith.muli %arg1, %mul3A_123 : i32
    %add3A_125 = arith.constant 4 : i32
    %add3A_126 = arith.addi %mul3A_124, %add3A_125 : i32
    %mul3A_127 = arith.constant 128 : i32
    %mul3A_128 = arith.muli %add3A_126, %mul3A_127 : i32
    "tpu.region"() ({
      %run_scoped3A = tpu.sem_alloc : memref<!tpu.dma_semaphore, #tpu.memory_space<semaphore_mem>>
      %dma_start3A = arith.constant 0 : i32
      %dma_start3A_133 = tpu.memref_slice %arg12[%mul3A_128, %dma_start3A] : memref<10240x128xf32, #tpu.memory_space<vmem_shared>> -> memref<128x128xf32, #tpu.memory_space<vmem_shared>>
      %dma_start3A_134 = arith.constant 0 : i32
      %dma_start3A_135 = tpu.memref_slice %arg12[%mul3A_128, %dma_start3A_134] : memref<10240x128xf32, #tpu.memory_space<vmem_shared>> -> memref<128x128xf32, #tpu.memory_space<vmem_shared>>
      tpu.enqueue_dma source(%dma_start3A_135 : memref<128x128xf32, #tpu.memory_space<vmem_shared>>) target(%arg9 : memref<128x128xf32, #tpu.memory_space<vmem>>) target_semaphore(%run_scoped3A : memref<!tpu.dma_semaphore, #tpu.memory_space<semaphore_mem>>)
      %dma_wait3A = arith.constant 0 : i32
      %dma_wait3A_136 = tpu.memref_slice %arg12[%mul3A_128, %dma_wait3A] : memref<10240x128xf32, #tpu.memory_space<vmem_shared>> -> memref<128x128xf32, #tpu.memory_space<vmem_shared>>
      %dma_wait3A_137 = arith.constant 0 : i32
      %dma_wait3A_138 = tpu.memref_slice %arg12[%mul3A_128, %dma_wait3A_137] : memref<10240x128xf32, #tpu.memory_space<vmem_shared>> -> memref<128x128xf32, #tpu.memory_space<vmem_shared>>
      tpu.wait_dma2 semaphore(%run_scoped3A : memref<!tpu.dma_semaphore, #tpu.memory_space<semaphore_mem>>) src(%dma_wait3A_138 : memref<128x128xf32, #tpu.memory_space<vmem_shared>>) dst(%arg9 : memref<128x128xf32, #tpu.memory_space<vmem>>)
      tpu.yield
    }) : () -> ()
    "tpu.region"() ({
      %run_scoped3A = tpu.sem_alloc : memref<!tpu.dma_semaphore, #tpu.memory_space<semaphore_mem>>
      %dma_start3A = arith.constant 0 : i32
      %dma_start3A_133 = tpu.memref_slice %arg5[%arg0, %mul3A_128, %dma_start3A] : memref<2x10240x128xf32, #tpu.memory_space<hbm>> -> memref<1x128x128xf32, #tpu.memory_space<hbm>>
      %dma_start3A_134 = tpu.memref_squeeze %dma_start3A_133 : memref<1x128x128xf32, #tpu.memory_space<hbm>> -> memref<128x128xf32, #tpu.memory_space<hbm>>
      %dma_start3A_135 = arith.constant 0 : i32
      %dma_start3A_136 = tpu.memref_slice %arg5[%arg0, %mul3A_128, %dma_start3A_135] : memref<2x10240x128xf32, #tpu.memory_space<hbm>> -> memref<1x128x128xf32, #tpu.memory_space<hbm>>
      %dma_start3A_137 = tpu.memref_squeeze %dma_start3A_136 : memref<1x128x128xf32, #tpu.memory_space<hbm>> -> memref<128x128xf32, #tpu.memory_space<hbm>>
      tpu.enqueue_dma source(%arg9 : memref<128x128xf32, #tpu.memory_space<vmem>>) target(%dma_start3A_137 : memref<128x128xf32, #tpu.memory_space<hbm>>) target_semaphore(%run_scoped3A : memref<!tpu.dma_semaphore, #tpu.memory_space<semaphore_mem>>)
      %dma_wait3A = arith.constant 0 : i32
      %dma_wait3A_138 = tpu.memref_slice %arg5[%arg0, %mul3A_128, %dma_wait3A] : memref<2x10240x128xf32, #tpu.memory_space<hbm>> -> memref<1x128x128xf32, #tpu.memory_space<hbm>>
      %dma_wait3A_139 = tpu.memref_squeeze %dma_wait3A_138 : memref<1x128x128xf32, #tpu.memory_space<hbm>> -> memref<128x128xf32, #tpu.memory_space<hbm>>
      %dma_wait3A_140 = arith.constant 0 : i32
      %dma_wait3A_141 = tpu.memref_slice %arg5[%arg0, %mul3A_128, %dma_wait3A_140] : memref<2x10240x128xf32, #tpu.memory_space<hbm>> -> memref<1x128x128xf32, #tpu.memory_space<hbm>>
      %dma_wait3A_142 = tpu.memref_squeeze %dma_wait3A_141 : memref<1x128x128xf32, #tpu.memory_space<hbm>> -> memref<128x128xf32, #tpu.memory_space<hbm>>
      tpu.wait_dma2 semaphore(%run_scoped3A : memref<!tpu.dma_semaphore, #tpu.memory_space<semaphore_mem>>) src(%arg9 : memref<128x128xf32, #tpu.memory_space<vmem>>) dst(%dma_wait3A_142 : memref<128x128xf32, #tpu.memory_space<hbm>>)
      tpu.yield
    }) : () -> ()
    %mul3A_129 = arith.constant 640 : i32
    %mul3A_130 = arith.muli %arg1, %mul3A_129 : i32
    "tpu.region"() ({
      %run_scoped3A = tpu.sem_alloc : memref<!tpu.dma_semaphore, #tpu.memory_space<semaphore_mem>>
      %dma_start3A = tpu.memref_slice %arg14[%mul3A_130] : memref<10240xf32, #tpu.memory_space<vmem_shared>> -> memref<640xf32, #tpu.memory_space<vmem_shared>>
      %dma_start3A_133 = tpu.memref_slice %arg14[%mul3A_130] : memref<10240xf32, #tpu.memory_space<vmem_shared>> -> memref<640xf32, #tpu.memory_space<vmem_shared>>
      tpu.enqueue_dma source(%dma_start3A_133 : memref<640xf32, #tpu.memory_space<vmem_shared>>) target(%arg10 : memref<640xf32, #tpu.memory_space<vmem>>) target_semaphore(%run_scoped3A : memref<!tpu.dma_semaphore, #tpu.memory_space<semaphore_mem>>)
      %dma_wait3A = tpu.memref_slice %arg14[%mul3A_130] : memref<10240xf32, #tpu.memory_space<vmem_shared>> -> memref<640xf32, #tpu.memory_space<vmem_shared>>
      %dma_wait3A_134 = tpu.memref_slice %arg14[%mul3A_130] : memref<10240xf32, #tpu.memory_space<vmem_shared>> -> memref<640xf32, #tpu.memory_space<vmem_shared>>
      tpu.wait_dma2 semaphore(%run_scoped3A : memref<!tpu.dma_semaphore, #tpu.memory_space<semaphore_mem>>) src(%dma_wait3A_134 : memref<640xf32, #tpu.memory_space<vmem_shared>>) dst(%arg10 : memref<640xf32, #tpu.memory_space<vmem>>)
      tpu.yield
    }) : () -> ()
    %mul3A_131 = arith.constant 640 : i32
    %mul3A_132 = arith.muli %arg1, %mul3A_131 : i32
    "tpu.region"() ({
      %run_scoped3A = tpu.sem_alloc : memref<!tpu.dma_semaphore, #tpu.memory_space<semaphore_mem>>
      %dma_start3A = tpu.memref_slice %arg6[%arg0, %mul3A_132] : memref<2x10240xf32, #tpu.memory_space<hbm>> -> memref<1x640xf32, #tpu.memory_space<hbm>>
      %dma_start3A_133 = tpu.memref_squeeze %dma_start3A : memref<1x640xf32, #tpu.memory_space<hbm>> -> memref<640xf32, #tpu.memory_space<hbm>>
      %dma_start3A_134 = tpu.memref_slice %arg6[%arg0, %mul3A_132] : memref<2x10240xf32, #tpu.memory_space<hbm>> -> memref<1x640xf32, #tpu.memory_space<hbm>>
      %dma_start3A_135 = tpu.memref_squeeze %dma_start3A_134 : memref<1x640xf32, #tpu.memory_space<hbm>> -> memref<640xf32, #tpu.memory_space<hbm>>
      tpu.enqueue_dma source(%arg10 : memref<640xf32, #tpu.memory_space<vmem>>) target(%dma_start3A_135 : memref<640xf32, #tpu.memory_space<hbm>>) target_semaphore(%run_scoped3A : memref<!tpu.dma_semaphore, #tpu.memory_space<semaphore_mem>>)
      %dma_wait3A = tpu.memref_slice %arg6[%arg0, %mul3A_132] : memref<2x10240xf32, #tpu.memory_space<hbm>> -> memref<1x640xf32, #tpu.memory_space<hbm>>
      %dma_wait3A_136 = tpu.memref_squeeze %dma_wait3A : memref<1x640xf32, #tpu.memory_space<hbm>> -> memref<640xf32, #tpu.memory_space<hbm>>
      %dma_wait3A_137 = tpu.memref_slice %arg6[%arg0, %mul3A_132] : memref<2x10240xf32, #tpu.memory_space<hbm>> -> memref<1x640xf32, #tpu.memory_space<hbm>>
      %dma_wait3A_138 = tpu.memref_squeeze %dma_wait3A_137 : memref<1x640xf32, #tpu.memory_space<hbm>> -> memref<640xf32, #tpu.memory_space<hbm>>
      tpu.wait_dma2 semaphore(%run_scoped3A : memref<!tpu.dma_semaphore, #tpu.memory_space<semaphore_mem>>) src(%arg10 : memref<640xf32, #tpu.memory_space<vmem>>) dst(%dma_wait3A_138 : memref<640xf32, #tpu.memory_space<hbm>>)
      tpu.yield
    }) : () -> ()
    return
  }
}

#map = affine_map<(d0, d1) -> (0, 0)>
#map1 = affine_map<(d0, d1) -> (0, 0, 0)>
module attributes {stable_mosaic.version = 14 : i64} {
  func.func @body(%arg0: i32, %arg1: i32, %arg2: memref<10240x128xf32, #tpu.memory_space<hbm>>, %arg3: memref<32x79x128xi32, #tpu.memory_space<hbm>>, %arg4: memref<32x79x128xi32, #tpu.memory_space<hbm>>, %arg5: memref<2x10240x128xf32, #tpu.memory_space<hbm>>, %arg6: memref<79x128xi32, #tpu.memory_space<vmem>>, %arg7: memref<79x128xi32, #tpu.memory_space<vmem>>, %arg8: memref<128x128xf32, #tpu.memory_space<vmem>>, %arg9: memref<640xf32, #tpu.memory_space<vmem>>, %arg10: memref<128xf32, #tpu.memory_space<vmem>>, %arg11: memref<10240x128xf32, #tpu.memory_space<vmem_shared>>, %arg12: memref<!tpu.dma_semaphore, #tpu.memory_space<semaphore_mem>>) attributes {dimension_semantics = [#tpu.dimension_semantics<core_parallel>, #tpu.dimension_semantics<subcore_parallel>], iteration_bounds = array<i64: 2, 16>, scalar_prefetch = 0 : i64, scratch_operands = 7 : i64, tpu.core_type = #tpu.core_type<sc_vector_subcore>, window_params = [{transform_indices = #map}, {transform_indices = #map1}, {transform_indices = #map1}, {transform_indices = #map1}]} {
    %mul3A = arith.constant 16 : i32
    %mul3A_0 = arith.muli %arg0, %mul3A : i32
    %add3A = arith.addi %mul3A_0, %arg1 : i32
    %broadcast_in_dim3A = arith.constant 0.000000e+00 : f32
    %broadcast_in_dim3A_1 = vector.broadcast %broadcast_in_dim3A : f32 to vector<16xf32>
    %scan3A = arith.constant 0 : i32
    %scan3A_2 = arith.constant 0 : i32
    %scan3A_3 = arith.constant 128 : i32
    %scan3A_4 = arith.addi %scan3A_2, %scan3A_3 : i32
    %scan3A_5 = arith.constant 1 : i32
    scf.for %scan3A_127 = %scan3A_2 to %scan3A_4 step %scan3A_5  : i32 {
      %swap3A_128 = arith.index_cast %scan3A_127 : i32 to index
      %swap3A_129 = arith.constant 0 : index
      %swap3A_130 = tpu.vector_load %arg8[%swap3A_128, %swap3A_129] {strides = array<i32>} : memref<128x128xf32, #tpu.memory_space<vmem>>, vector<1x16xf32>,
      %swap3A_131 = vector.shape_cast %swap3A_130 : vector<1x16xf32> to vector<16xf32>
      %swap3A_132 = vector.shape_cast %broadcast_in_dim3A_1 : vector<16xf32> to vector<1x16xf32>
      tpu.vector_store %arg8[%swap3A_128, %swap3A_129], %swap3A_132 {strides = array<i32>} : memref<128x128xf32, #tpu.memory_space<vmem>>, vector<1x16xf32>,
      %swap3A_133 = arith.index_cast %scan3A_127 : i32 to index
      %swap3A_134 = arith.constant 16 : index
      %swap3A_135 = tpu.vector_load %arg8[%swap3A_133, %swap3A_134] {strides = array<i32>} : memref<128x128xf32, #tpu.memory_space<vmem>>, vector<1x16xf32>,
      %swap3A_136 = vector.shape_cast %swap3A_135 : vector<1x16xf32> to vector<16xf32>
      %swap3A_137 = vector.shape_cast %broadcast_in_dim3A_1 : vector<16xf32> to vector<1x16xf32>
      tpu.vector_store %arg8[%swap3A_133, %swap3A_134], %swap3A_137 {strides = array<i32>} : memref<128x128xf32, #tpu.memory_space<vmem>>, vector<1x16xf32>,
      %swap3A_138 = arith.index_cast %scan3A_127 : i32 to index
      %swap3A_139 = arith.constant 32 : index
      %swap3A_140 = tpu.vector_load %arg8[%swap3A_138, %swap3A_139] {strides = array<i32>} : memref<128x128xf32, #tpu.memory_space<vmem>>, vector<1x16xf32>,
      %swap3A_141 = vector.shape_cast %swap3A_140 : vector<1x16xf32> to vector<16xf32>
      %swap3A_142 = vector.shape_cast %broadcast_in_dim3A_1 : vector<16xf32> to vector<1x16xf32>
      tpu.vector_store %arg8[%swap3A_138, %swap3A_139], %swap3A_142 {strides = array<i32>} : memref<128x128xf32, #tpu.memory_space<vmem>>, vector<1x16xf32>,
      %swap3A_143 = arith.index_cast %scan3A_127 : i32 to index
      %swap3A_144 = arith.constant 48 : index
      %swap3A_145 = tpu.vector_load %arg8[%swap3A_143, %swap3A_144] {strides = array<i32>} : memref<128x128xf32, #tpu.memory_space<vmem>>, vector<1x16xf32>,
      %swap3A_146 = vector.shape_cast %swap3A_145 : vector<1x16xf32> to vector<16xf32>
      %swap3A_147 = vector.shape_cast %broadcast_in_dim3A_1 : vector<16xf32> to vector<1x16xf32>
      tpu.vector_store %arg8[%swap3A_143, %swap3A_144], %swap3A_147 {strides = array<i32>} : memref<128x128xf32, #tpu.memory_space<vmem>>, vector<1x16xf32>,
      %swap3A_148 = arith.index_cast %scan3A_127 : i32 to index
      %swap3A_149 = arith.constant 64 : index
      %swap3A_150 = tpu.vector_load %arg8[%swap3A_148, %swap3A_149] {strides = array<i32>} : memref<128x128xf32, #tpu.memory_space<vmem>>, vector<1x16xf32>,
      %swap3A_151 = vector.shape_cast %swap3A_150 : vector<1x16xf32> to vector<16xf32>
      %swap3A_152 = vector.shape_cast %broadcast_in_dim3A_1 : vector<16xf32> to vector<1x16xf32>
      tpu.vector_store %arg8[%swap3A_148, %swap3A_149], %swap3A_152 {strides = array<i32>} : memref<128x128xf32, #tpu.memory_space<vmem>>, vector<1x16xf32>,
      %swap3A_153 = arith.index_cast %scan3A_127 : i32 to index
      %swap3A_154 = arith.constant 80 : index
      %swap3A_155 = tpu.vector_load %arg8[%swap3A_153, %swap3A_154] {strides = array<i32>} : memref<128x128xf32, #tpu.memory_space<vmem>>, vector<1x16xf32>,
      %swap3A_156 = vector.shape_cast %swap3A_155 : vector<1x16xf32> to vector<16xf32>
      %swap3A_157 = vector.shape_cast %broadcast_in_dim3A_1 : vector<16xf32> to vector<1x16xf32>
      tpu.vector_store %arg8[%swap3A_153, %swap3A_154], %swap3A_157 {strides = array<i32>} : memref<128x128xf32, #tpu.memory_space<vmem>>, vector<1x16xf32>,
      %swap3A_158 = arith.index_cast %scan3A_127 : i32 to index
      %swap3A_159 = arith.constant 96 : index
      %swap3A_160 = tpu.vector_load %arg8[%swap3A_158, %swap3A_159] {strides = array<i32>} : memref<128x128xf32, #tpu.memory_space<vmem>>, vector<1x16xf32>,
      %swap3A_161 = vector.shape_cast %swap3A_160 : vector<1x16xf32> to vector<16xf32>
      %swap3A_162 = vector.shape_cast %broadcast_in_dim3A_1 : vector<16xf32> to vector<1x16xf32>
      tpu.vector_store %arg8[%swap3A_158, %swap3A_159], %swap3A_162 {strides = array<i32>} : memref<128x128xf32, #tpu.memory_space<vmem>>, vector<1x16xf32>,
      %swap3A_163 = arith.index_cast %scan3A_127 : i32 to index
      %swap3A_164 = arith.constant 112 : index
      %swap3A_165 = tpu.vector_load %arg8[%swap3A_163, %swap3A_164] {strides = array<i32>} : memref<128x128xf32, #tpu.memory_space<vmem>>, vector<1x16xf32>,
      %swap3A_166 = vector.shape_cast %swap3A_165 : vector<1x16xf32> to vector<16xf32>
      %swap3A_167 = vector.shape_cast %broadcast_in_dim3A_1 : vector<16xf32> to vector<1x16xf32>
      tpu.vector_store %arg8[%swap3A_163, %swap3A_164], %swap3A_167 {strides = array<i32>} : memref<128x128xf32, #tpu.memory_space<vmem>>, vector<1x16xf32>,
    }
    %scan3A_6 = arith.constant 128 : i32
    %scan3A_7 = arith.constant 0 : i32
    %scan3A_8 = arith.constant 0 : i32
    %scan3A_9 = arith.constant 40 : i32
    %scan3A_10 = arith.addi %scan3A_8, %scan3A_9 : i32
    %scan3A_11 = arith.constant 1 : i32
    scf.for %scan3A_127 = %scan3A_8 to %scan3A_10 step %scan3A_11  : i32 {
      %mul3A_128 = arith.constant 16 : i32
      %mul3A_129 = arith.muli %scan3A_127, %mul3A_128 : i32
      %swap3A_130 = arith.index_cast %mul3A_129 : i32 to index
      %swap3A_131 = tpu.vector_load %arg9[%swap3A_130] {strides = array<i32>} : memref<640xf32, #tpu.memory_space<vmem>>, vector<16xf32>,
      %swap3A_132 = vector.shape_cast %swap3A_131 : vector<16xf32> to vector<16xf32>
      %swap3A_133 = vector.shape_cast %broadcast_in_dim3A_1 : vector<16xf32> to vector<16xf32>
      tpu.vector_store %arg9[%swap3A_130], %swap3A_133 {strides = array<i32>} : memref<640xf32, #tpu.memory_space<vmem>>, vector<16xf32>,
    }
    %scan3A_12 = arith.constant 40 : i32
    %broadcast_in_dim3A_13 = arith.constant 1.000000e+00 : f32
    %broadcast_in_dim3A_14 = vector.broadcast %broadcast_in_dim3A_13 : f32 to vector<16xf32>
    %swap3A = arith.constant 0 : index
    %swap3A_15 = tpu.vector_load %arg10[%swap3A] {strides = array<i32>} : memref<128xf32, #tpu.memory_space<vmem>>, vector<16xf32>,
    %swap3A_16 = vector.shape_cast %swap3A_15 : vector<16xf32> to vector<16xf32>
    %swap3A_17 = vector.shape_cast %broadcast_in_dim3A_14 : vector<16xf32> to vector<16xf32>
    tpu.vector_store %arg10[%swap3A], %swap3A_17 {strides = array<i32>} : memref<128xf32, #tpu.memory_space<vmem>>, vector<16xf32>,
    %broadcast_in_dim3A_18 = arith.constant 1.000000e+00 : f32
    %broadcast_in_dim3A_19 = vector.broadcast %broadcast_in_dim3A_18 : f32 to vector<16xf32>
    %swap3A_20 = arith.constant 16 : index
    %swap3A_21 = tpu.vector_load %arg10[%swap3A_20] {strides = array<i32>} : memref<128xf32, #tpu.memory_space<vmem>>, vector<16xf32>,
    %swap3A_22 = vector.shape_cast %swap3A_21 : vector<16xf32> to vector<16xf32>
    %swap3A_23 = vector.shape_cast %broadcast_in_dim3A_19 : vector<16xf32> to vector<16xf32>
    tpu.vector_store %arg10[%swap3A_20], %swap3A_23 {strides = array<i32>} : memref<128xf32, #tpu.memory_space<vmem>>, vector<16xf32>,
    %broadcast_in_dim3A_24 = arith.constant 1.000000e+00 : f32
    %broadcast_in_dim3A_25 = vector.broadcast %broadcast_in_dim3A_24 : f32 to vector<16xf32>
    %swap3A_26 = arith.constant 32 : index
    %swap3A_27 = tpu.vector_load %arg10[%swap3A_26] {strides = array<i32>} : memref<128xf32, #tpu.memory_space<vmem>>, vector<16xf32>,
    %swap3A_28 = vector.shape_cast %swap3A_27 : vector<16xf32> to vector<16xf32>
    %swap3A_29 = vector.shape_cast %broadcast_in_dim3A_25 : vector<16xf32> to vector<16xf32>
    tpu.vector_store %arg10[%swap3A_26], %swap3A_29 {strides = array<i32>} : memref<128xf32, #tpu.memory_space<vmem>>, vector<16xf32>,
    %broadcast_in_dim3A_30 = arith.constant 1.000000e+00 : f32
    %broadcast_in_dim3A_31 = vector.broadcast %broadcast_in_dim3A_30 : f32 to vector<16xf32>
    %swap3A_32 = arith.constant 48 : index
    %swap3A_33 = tpu.vector_load %arg10[%swap3A_32] {strides = array<i32>} : memref<128xf32, #tpu.memory_space<vmem>>, vector<16xf32>,
    %swap3A_34 = vector.shape_cast %swap3A_33 : vector<16xf32> to vector<16xf32>
    %swap3A_35 = vector.shape_cast %broadcast_in_dim3A_31 : vector<16xf32> to vector<16xf32>
    tpu.vector_store %arg10[%swap3A_32], %swap3A_35 {strides = array<i32>} : memref<128xf32, #tpu.memory_space<vmem>>, vector<16xf32>,
    %broadcast_in_dim3A_36 = arith.constant 1.000000e+00 : f32
    %broadcast_in_dim3A_37 = vector.broadcast %broadcast_in_dim3A_36 : f32 to vector<16xf32>
    %swap3A_38 = arith.constant 64 : index
    %swap3A_39 = tpu.vector_load %arg10[%swap3A_38] {strides = array<i32>} : memref<128xf32, #tpu.memory_space<vmem>>, vector<16xf32>,
    %swap3A_40 = vector.shape_cast %swap3A_39 : vector<16xf32> to vector<16xf32>
    %swap3A_41 = vector.shape_cast %broadcast_in_dim3A_37 : vector<16xf32> to vector<16xf32>
    tpu.vector_store %arg10[%swap3A_38], %swap3A_41 {strides = array<i32>} : memref<128xf32, #tpu.memory_space<vmem>>, vector<16xf32>,
    %broadcast_in_dim3A_42 = arith.constant 1.000000e+00 : f32
    %broadcast_in_dim3A_43 = vector.broadcast %broadcast_in_dim3A_42 : f32 to vector<16xf32>
    %swap3A_44 = arith.constant 80 : index
    %swap3A_45 = tpu.vector_load %arg10[%swap3A_44] {strides = array<i32>} : memref<128xf32, #tpu.memory_space<vmem>>, vector<16xf32>,
    %swap3A_46 = vector.shape_cast %swap3A_45 : vector<16xf32> to vector<16xf32>
    %swap3A_47 = vector.shape_cast %broadcast_in_dim3A_43 : vector<16xf32> to vector<16xf32>
    tpu.vector_store %arg10[%swap3A_44], %swap3A_47 {strides = array<i32>} : memref<128xf32, #tpu.memory_space<vmem>>, vector<16xf32>,
    %broadcast_in_dim3A_48 = arith.constant 1.000000e+00 : f32
    %broadcast_in_dim3A_49 = vector.broadcast %broadcast_in_dim3A_48 : f32 to vector<16xf32>
    %swap3A_50 = arith.constant 96 : index
    %swap3A_51 = tpu.vector_load %arg10[%swap3A_50] {strides = array<i32>} : memref<128xf32, #tpu.memory_space<vmem>>, vector<16xf32>,
    %swap3A_52 = vector.shape_cast %swap3A_51 : vector<16xf32> to vector<16xf32>
    %swap3A_53 = vector.shape_cast %broadcast_in_dim3A_49 : vector<16xf32> to vector<16xf32>
    tpu.vector_store %arg10[%swap3A_50], %swap3A_53 {strides = array<i32>} : memref<128xf32, #tpu.memory_space<vmem>>, vector<16xf32>,
    %broadcast_in_dim3A_54 = arith.constant 1.000000e+00 : f32
    %broadcast_in_dim3A_55 = vector.broadcast %broadcast_in_dim3A_54 : f32 to vector<16xf32>
    %swap3A_56 = arith.constant 112 : index
    %swap3A_57 = tpu.vector_load %arg10[%swap3A_56] {strides = array<i32>} : memref<128xf32, #tpu.memory_space<vmem>>, vector<16xf32>,
    %swap3A_58 = vector.shape_cast %swap3A_57 : vector<16xf32> to vector<16xf32>
    %swap3A_59 = vector.shape_cast %broadcast_in_dim3A_55 : vector<16xf32> to vector<16xf32>
    tpu.vector_store %arg10[%swap3A_56], %swap3A_59 {strides = array<i32>} : memref<128xf32, #tpu.memory_space<vmem>>, vector<16xf32>,
    "tpu.region"() ({
      %run_scoped3A = tpu.sem_alloc : memref<!tpu.dma_semaphore, #tpu.memory_space<semaphore_mem>>
      %dma_start3A = arith.constant 0 : i32
      %dma_start3A_127 = arith.constant 0 : i32
      %dma_start3A_128 = tpu.memref_slice %arg3[%add3A, %dma_start3A, %dma_start3A_127] : memref<32x79x128xi32, #tpu.memory_space<hbm>> -> memref<1x79x128xi32, #tpu.memory_space<hbm>>
      %dma_start3A_129 = tpu.memref_squeeze %dma_start3A_128 : memref<1x79x128xi32, #tpu.memory_space<hbm>> -> memref<79x128xi32, #tpu.memory_space<hbm>>
      %dma_start3A_130 = arith.constant 0 : i32
      %dma_start3A_131 = arith.constant 0 : i32
      %dma_start3A_132 = tpu.memref_slice %arg3[%add3A, %dma_start3A_130, %dma_start3A_131] : memref<32x79x128xi32, #tpu.memory_space<hbm>> -> memref<1x79x128xi32, #tpu.memory_space<hbm>>
      %dma_start3A_133 = tpu.memref_squeeze %dma_start3A_132 : memref<1x79x128xi32, #tpu.memory_space<hbm>> -> memref<79x128xi32, #tpu.memory_space<hbm>>
      tpu.enqueue_dma source(%dma_start3A_133 : memref<79x128xi32, #tpu.memory_space<hbm>>) target(%arg6 : memref<79x128xi32, #tpu.memory_space<vmem>>) target_semaphore(%run_scoped3A : memref<!tpu.dma_semaphore, #tpu.memory_space<semaphore_mem>>)
      %dma_wait3A = arith.constant 0 : i32
      %dma_wait3A_134 = arith.constant 0 : i32
      %dma_wait3A_135 = tpu.memref_slice %arg3[%add3A, %dma_wait3A, %dma_wait3A_134] : memref<32x79x128xi32, #tpu.memory_space<hbm>> -> memref<1x79x128xi32, #tpu.memory_space<hbm>>
      %dma_wait3A_136 = tpu.memref_squeeze %dma_wait3A_135 : memref<1x79x128xi32, #tpu.memory_space<hbm>> -> memref<79x128xi32, #tpu.memory_space<hbm>>
      %dma_wait3A_137 = arith.constant 0 : i32
      %dma_wait3A_138 = arith.constant 0 : i32
      %dma_wait3A_139 = tpu.memref_slice %arg3[%add3A, %dma_wait3A_137, %dma_wait3A_138] : memref<32x79x128xi32, #tpu.memory_space<hbm>> -> memref<1x79x128xi32, #tpu.memory_space<hbm>>
      %dma_wait3A_140 = tpu.memref_squeeze %dma_wait3A_139 : memref<1x79x128xi32, #tpu.memory_space<hbm>> -> memref<79x128xi32, #tpu.memory_space<hbm>>
      tpu.wait_dma2 semaphore(%run_scoped3A : memref<!tpu.dma_semaphore, #tpu.memory_space<semaphore_mem>>) src(%dma_wait3A_140 : memref<79x128xi32, #tpu.memory_space<hbm>>) dst(%arg6 : memref<79x128xi32, #tpu.memory_space<vmem>>)
      tpu.yield
    }) : () -> ()
    "tpu.region"() ({
      %run_scoped3A = tpu.sem_alloc : memref<!tpu.dma_semaphore, #tpu.memory_space<semaphore_mem>>
      %dma_start3A = arith.constant 0 : i32
      %dma_start3A_127 = arith.constant 0 : i32
      %dma_start3A_128 = tpu.memref_slice %arg4[%add3A, %dma_start3A, %dma_start3A_127] : memref<32x79x128xi32, #tpu.memory_space<hbm>> -> memref<1x79x128xi32, #tpu.memory_space<hbm>>
      %dma_start3A_129 = tpu.memref_squeeze %dma_start3A_128 : memref<1x79x128xi32, #tpu.memory_space<hbm>> -> memref<79x128xi32, #tpu.memory_space<hbm>>
      %dma_start3A_130 = arith.constant 0 : i32
      %dma_start3A_131 = arith.constant 0 : i32
      %dma_start3A_132 = tpu.memref_slice %arg4[%add3A, %dma_start3A_130, %dma_start3A_131] : memref<32x79x128xi32, #tpu.memory_space<hbm>> -> memref<1x79x128xi32, #tpu.memory_space<hbm>>
      %dma_start3A_133 = tpu.memref_squeeze %dma_start3A_132 : memref<1x79x128xi32, #tpu.memory_space<hbm>> -> memref<79x128xi32, #tpu.memory_space<hbm>>
      tpu.enqueue_dma source(%dma_start3A_133 : memref<79x128xi32, #tpu.memory_space<hbm>>) target(%arg7 : memref<79x128xi32, #tpu.memory_space<vmem>>) target_semaphore(%run_scoped3A : memref<!tpu.dma_semaphore, #tpu.memory_space<semaphore_mem>>)
      %dma_wait3A = arith.constant 0 : i32
      %dma_wait3A_134 = arith.constant 0 : i32
      %dma_wait3A_135 = tpu.memref_slice %arg4[%add3A, %dma_wait3A, %dma_wait3A_134] : memref<32x79x128xi32, #tpu.memory_space<hbm>> -> memref<1x79x128xi32, #tpu.memory_space<hbm>>
      %dma_wait3A_136 = tpu.memref_squeeze %dma_wait3A_135 : memref<1x79x128xi32, #tpu.memory_space<hbm>> -> memref<79x128xi32, #tpu.memory_space<hbm>>
      %dma_wait3A_137 = arith.constant 0 : i32
      %dma_wait3A_138 = arith.constant 0 : i32
      %dma_wait3A_139 = tpu.memref_slice %arg4[%add3A, %dma_wait3A_137, %dma_wait3A_138] : memref<32x79x128xi32, #tpu.memory_space<hbm>> -> memref<1x79x128xi32, #tpu.memory_space<hbm>>
      %dma_wait3A_140 = tpu.memref_squeeze %dma_wait3A_139 : memref<1x79x128xi32, #tpu.memory_space<hbm>> -> memref<79x128xi32, #tpu.memory_space<hbm>>
      tpu.wait_dma2 semaphore(%run_scoped3A : memref<!tpu.dma_semaphore, #tpu.memory_space<semaphore_mem>>) src(%dma_wait3A_140 : memref<79x128xi32, #tpu.memory_space<hbm>>) dst(%arg7 : memref<79x128xi32, #tpu.memory_space<vmem>>)
      tpu.yield
    }) : () -> ()
    %mul3A_60 = arith.constant 5 : i32
    %mul3A_61 = arith.muli %arg1, %mul3A_60 : i32
    %add3A_62 = arith.constant 0 : i32
    %add3A_63 = arith.addi %mul3A_61, %add3A_62 : i32
    %mul3A_64 = arith.constant 128 : i32
    %mul3A_65 = arith.muli %add3A_63, %mul3A_64 : i32
    "tpu.region"() ({
      %run_scoped3A = tpu.sem_alloc : memref<!tpu.dma_semaphore, #tpu.memory_space<semaphore_mem>>
      %dma_start3A = arith.constant 0 : i32
      %dma_start3A_127 = tpu.memref_slice %arg11[%mul3A_65, %dma_start3A] : memref<10240x128xf32, #tpu.memory_space<vmem_shared>> -> memref<128x128xf32, #tpu.memory_space<vmem_shared>>
      %dma_start3A_128 = arith.constant 0 : i32
      %dma_start3A_129 = tpu.memref_slice %arg11[%mul3A_65, %dma_start3A_128] : memref<10240x128xf32, #tpu.memory_space<vmem_shared>> -> memref<128x128xf32, #tpu.memory_space<vmem_shared>>
      tpu.enqueue_dma source(%arg8 : memref<128x128xf32, #tpu.memory_space<vmem>>) target(%dma_start3A_129 : memref<128x128xf32, #tpu.memory_space<vmem_shared>>) target_semaphore(%run_scoped3A : memref<!tpu.dma_semaphore, #tpu.memory_space<semaphore_mem>>)
      %dma_wait3A = arith.constant 0 : i32
      %dma_wait3A_130 = tpu.memref_slice %arg11[%mul3A_65, %dma_wait3A] : memref<10240x128xf32, #tpu.memory_space<vmem_shared>> -> memref<128x128xf32, #tpu.memory_space<vmem_shared>>
      %dma_wait3A_131 = arith.constant 0 : i32
      %dma_wait3A_132 = tpu.memref_slice %arg11[%mul3A_65, %dma_wait3A_131] : memref<10240x128xf32, #tpu.memory_space<vmem_shared>> -> memref<128x128xf32, #tpu.memory_space<vmem_shared>>
      tpu.wait_dma2 semaphore(%run_scoped3A : memref<!tpu.dma_semaphore, #tpu.memory_space<semaphore_mem>>) src(%arg8 : memref<128x128xf32, #tpu.memory_space<vmem>>) dst(%dma_wait3A_132 : memref<128x128xf32, #tpu.memory_space<vmem_shared>>)
      tpu.yield
    }) : () -> ()
    %mul3A_66 = arith.constant 5 : i32
    %mul3A_67 = arith.muli %arg1, %mul3A_66 : i32
    %add3A_68 = arith.constant 1 : i32
    %add3A_69 = arith.addi %mul3A_67, %add3A_68 : i32
    %mul3A_70 = arith.constant 128 : i32
    %mul3A_71 = arith.muli %add3A_69, %mul3A_70 : i32
    "tpu.region"() ({
      %run_scoped3A = tpu.sem_alloc : memref<!tpu.dma_semaphore, #tpu.memory_space<semaphore_mem>>
      %dma_start3A = arith.constant 0 : i32
      %dma_start3A_127 = tpu.memref_slice %arg11[%mul3A_71, %dma_start3A] : memref<10240x128xf32, #tpu.memory_space<vmem_shared>> -> memref<128x128xf32, #tpu.memory_space<vmem_shared>>
      %dma_start3A_128 = arith.constant 0 : i32
      %dma_start3A_129 = tpu.memref_slice %arg11[%mul3A_71, %dma_start3A_128] : memref<10240x128xf32, #tpu.memory_space<vmem_shared>> -> memref<128x128xf32, #tpu.memory_space<vmem_shared>>
      tpu.enqueue_dma source(%arg8 : memref<128x128xf32, #tpu.memory_space<vmem>>) target(%dma_start3A_129 : memref<128x128xf32, #tpu.memory_space<vmem_shared>>) target_semaphore(%run_scoped3A : memref<!tpu.dma_semaphore, #tpu.memory_space<semaphore_mem>>)
      %dma_wait3A = arith.constant 0 : i32
      %dma_wait3A_130 = tpu.memref_slice %arg11[%mul3A_71, %dma_wait3A] : memref<10240x128xf32, #tpu.memory_space<vmem_shared>> -> memref<128x128xf32, #tpu.memory_space<vmem_shared>>
      %dma_wait3A_131 = arith.constant 0 : i32
      %dma_wait3A_132 = tpu.memref_slice %arg11[%mul3A_71, %dma_wait3A_131] : memref<10240x128xf32, #tpu.memory_space<vmem_shared>> -> memref<128x128xf32, #tpu.memory_space<vmem_shared>>
      tpu.wait_dma2 semaphore(%run_scoped3A : memref<!tpu.dma_semaphore, #tpu.memory_space<semaphore_mem>>) src(%arg8 : memref<128x128xf32, #tpu.memory_space<vmem>>) dst(%dma_wait3A_132 : memref<128x128xf32, #tpu.memory_space<vmem_shared>>)
      tpu.yield
    }) : () -> ()
    %mul3A_72 = arith.constant 5 : i32
    %mul3A_73 = arith.muli %arg1, %mul3A_72 : i32
    %add3A_74 = arith.constant 2 : i32
    %add3A_75 = arith.addi %mul3A_73, %add3A_74 : i32
    %mul3A_76 = arith.constant 128 : i32
    %mul3A_77 = arith.muli %add3A_75, %mul3A_76 : i32
    "tpu.region"() ({
      %run_scoped3A = tpu.sem_alloc : memref<!tpu.dma_semaphore, #tpu.memory_space<semaphore_mem>>
      %dma_start3A = arith.constant 0 : i32
      %dma_start3A_127 = tpu.memref_slice %arg11[%mul3A_77, %dma_start3A] : memref<10240x128xf32, #tpu.memory_space<vmem_shared>> -> memref<128x128xf32, #tpu.memory_space<vmem_shared>>
      %dma_start3A_128 = arith.constant 0 : i32
      %dma_start3A_129 = tpu.memref_slice %arg11[%mul3A_77, %dma_start3A_128] : memref<10240x128xf32, #tpu.memory_space<vmem_shared>> -> memref<128x128xf32, #tpu.memory_space<vmem_shared>>
      tpu.enqueue_dma source(%arg8 : memref<128x128xf32, #tpu.memory_space<vmem>>) target(%dma_start3A_129 : memref<128x128xf32, #tpu.memory_space<vmem_shared>>) target_semaphore(%run_scoped3A : memref<!tpu.dma_semaphore, #tpu.memory_space<semaphore_mem>>)
      %dma_wait3A = arith.constant 0 : i32
      %dma_wait3A_130 = tpu.memref_slice %arg11[%mul3A_77, %dma_wait3A] : memref<10240x128xf32, #tpu.memory_space<vmem_shared>> -> memref<128x128xf32, #tpu.memory_space<vmem_shared>>
      %dma_wait3A_131 = arith.constant 0 : i32
      %dma_wait3A_132 = tpu.memref_slice %arg11[%mul3A_77, %dma_wait3A_131] : memref<10240x128xf32, #tpu.memory_space<vmem_shared>> -> memref<128x128xf32, #tpu.memory_space<vmem_shared>>
      tpu.wait_dma2 semaphore(%run_scoped3A : memref<!tpu.dma_semaphore, #tpu.memory_space<semaphore_mem>>) src(%arg8 : memref<128x128xf32, #tpu.memory_space<vmem>>) dst(%dma_wait3A_132 : memref<128x128xf32, #tpu.memory_space<vmem_shared>>)
      tpu.yield
    }) : () -> ()
    %mul3A_78 = arith.constant 5 : i32
    %mul3A_79 = arith.muli %arg1, %mul3A_78 : i32
    %add3A_80 = arith.constant 3 : i32
    %add3A_81 = arith.addi %mul3A_79, %add3A_80 : i32
    %mul3A_82 = arith.constant 128 : i32
    %mul3A_83 = arith.muli %add3A_81, %mul3A_82 : i32
    "tpu.region"() ({
      %run_scoped3A = tpu.sem_alloc : memref<!tpu.dma_semaphore, #tpu.memory_space<semaphore_mem>>
      %dma_start3A = arith.constant 0 : i32
      %dma_start3A_127 = tpu.memref_slice %arg11[%mul3A_83, %dma_start3A] : memref<10240x128xf32, #tpu.memory_space<vmem_shared>> -> memref<128x128xf32, #tpu.memory_space<vmem_shared>>
      %dma_start3A_128 = arith.constant 0 : i32
      %dma_start3A_129 = tpu.memref_slice %arg11[%mul3A_83, %dma_start3A_128] : memref<10240x128xf32, #tpu.memory_space<vmem_shared>> -> memref<128x128xf32, #tpu.memory_space<vmem_shared>>
      tpu.enqueue_dma source(%arg8 : memref<128x128xf32, #tpu.memory_space<vmem>>) target(%dma_start3A_129 : memref<128x128xf32, #tpu.memory_space<vmem_shared>>) target_semaphore(%run_scoped3A : memref<!tpu.dma_semaphore, #tpu.memory_space<semaphore_mem>>)
      %dma_wait3A = arith.constant 0 : i32
      %dma_wait3A_130 = tpu.memref_slice %arg11[%mul3A_83, %dma_wait3A] : memref<10240x128xf32, #tpu.memory_space<vmem_shared>> -> memref<128x128xf32, #tpu.memory_space<vmem_shared>>
      %dma_wait3A_131 = arith.constant 0 : i32
      %dma_wait3A_132 = tpu.memref_slice %arg11[%mul3A_83, %dma_wait3A_131] : memref<10240x128xf32, #tpu.memory_space<vmem_shared>> -> memref<128x128xf32, #tpu.memory_space<vmem_shared>>
      tpu.wait_dma2 semaphore(%run_scoped3A : memref<!tpu.dma_semaphore, #tpu.memory_space<semaphore_mem>>) src(%arg8 : memref<128x128xf32, #tpu.memory_space<vmem>>) dst(%dma_wait3A_132 : memref<128x128xf32, #tpu.memory_space<vmem_shared>>)
      tpu.yield
    }) : () -> ()
    %mul3A_84 = arith.constant 5 : i32
    %mul3A_85 = arith.muli %arg1, %mul3A_84 : i32
    %add3A_86 = arith.constant 4 : i32
    %add3A_87 = arith.addi %mul3A_85, %add3A_86 : i32
    %mul3A_88 = arith.constant 128 : i32
    %mul3A_89 = arith.muli %add3A_87, %mul3A_88 : i32
    "tpu.region"() ({
      %run_scoped3A = tpu.sem_alloc : memref<!tpu.dma_semaphore, #tpu.memory_space<semaphore_mem>>
      %dma_start3A = arith.constant 0 : i32
      %dma_start3A_127 = tpu.memref_slice %arg11[%mul3A_89, %dma_start3A] : memref<10240x128xf32, #tpu.memory_space<vmem_shared>> -> memref<128x128xf32, #tpu.memory_space<vmem_shared>>
      %dma_start3A_128 = arith.constant 0 : i32
      %dma_start3A_129 = tpu.memref_slice %arg11[%mul3A_89, %dma_start3A_128] : memref<10240x128xf32, #tpu.memory_space<vmem_shared>> -> memref<128x128xf32, #tpu.memory_space<vmem_shared>>
      tpu.enqueue_dma source(%arg8 : memref<128x128xf32, #tpu.memory_space<vmem>>) target(%dma_start3A_129 : memref<128x128xf32, #tpu.memory_space<vmem_shared>>) target_semaphore(%run_scoped3A : memref<!tpu.dma_semaphore, #tpu.memory_space<semaphore_mem>>)
      %dma_wait3A = arith.constant 0 : i32
      %dma_wait3A_130 = tpu.memref_slice %arg11[%mul3A_89, %dma_wait3A] : memref<10240x128xf32, #tpu.memory_space<vmem_shared>> -> memref<128x128xf32, #tpu.memory_space<vmem_shared>>
      %dma_wait3A_131 = arith.constant 0 : i32
      %dma_wait3A_132 = tpu.memref_slice %arg11[%mul3A_89, %dma_wait3A_131] : memref<10240x128xf32, #tpu.memory_space<vmem_shared>> -> memref<128x128xf32, #tpu.memory_space<vmem_shared>>
      tpu.wait_dma2 semaphore(%run_scoped3A : memref<!tpu.dma_semaphore, #tpu.memory_space<semaphore_mem>>) src(%arg8 : memref<128x128xf32, #tpu.memory_space<vmem>>) dst(%dma_wait3A_132 : memref<128x128xf32, #tpu.memory_space<vmem_shared>>)
      tpu.yield
    }) : () -> ()
    %barrier3A = arith.constant 0 : index
    tpu.barrier barrier_id(%barrier3A)
    %scan3A_90 = arith.constant 0 : i32
    %scan3A_91 = arith.constant 0 : i32
    %scan3A_92 = arith.constant 79 : i32
    %scan3A_93 = arith.addi %scan3A_91, %scan3A_92 : i32
    %scan3A_94 = arith.constant 1 : i32
    scf.for %scan3A_127 = %scan3A_91 to %scan3A_93 step %scan3A_94  : i32 {
      %dma_start3A = arith.constant 0 : i32
      %dma_start3A_128 = tpu.memref_slice %arg6[%scan3A_127, %dma_start3A] : memref<79x128xi32, #tpu.memory_space<vmem>> -> memref<1x128xi32, #tpu.memory_space<vmem>>
      %dma_start3A_129 = tpu.memref_squeeze %dma_start3A_128 : memref<1x128xi32, #tpu.memory_space<vmem>> -> memref<128xi32, #tpu.memory_space<vmem>>
      %dma_start3A_130 = arith.constant 0 : i32
      %dma_start3A_131 = arith.constant 0 : i32
      %dma_start3A_132 = tpu.memref_slice %arg2[%dma_start3A_130, %dma_start3A_131] : memref<10240x128xf32, #tpu.memory_space<hbm>> -> memref<10240x128xf32, #tpu.memory_space<hbm>>
      tpu.enqueue_indirect_dma source(%dma_start3A_132 : memref<10240x128xf32, #tpu.memory_space<hbm>>) target(%arg8 : memref<128x128xf32, #tpu.memory_space<vmem>>) offsets(%dma_start3A_129 : memref<128xi32, #tpu.memory_space<vmem>>) semaphore(%arg12 : memref<!tpu.dma_semaphore, #tpu.memory_space<semaphore_mem>>)
      %dma_wait3A = arith.constant 0 : i32
      %dma_wait3A_133 = tpu.memref_slice %arg6[%scan3A_127, %dma_wait3A] : memref<79x128xi32, #tpu.memory_space<vmem>> -> memref<1x128xi32, #tpu.memory_space<vmem>>
      %dma_wait3A_134 = tpu.memref_squeeze %dma_wait3A_133 : memref<1x128xi32, #tpu.memory_space<vmem>> -> memref<128xi32, #tpu.memory_space<vmem>>
      %dma_wait3A_135 = arith.constant 0 : i32
      %dma_wait3A_136 = arith.constant 0 : i32
      %dma_wait3A_137 = tpu.memref_slice %arg2[%dma_wait3A_135, %dma_wait3A_136] : memref<10240x128xf32, #tpu.memory_space<hbm>> -> memref<10240x128xf32, #tpu.memory_space<hbm>>
      tpu.wait_indirect_dma semaphore(%arg12 : memref<!tpu.dma_semaphore, #tpu.memory_space<semaphore_mem>>) src(%dma_wait3A_137 : memref<10240x128xf32, #tpu.memory_space<hbm>>) dst(%arg8 : memref<128x128xf32, #tpu.memory_space<vmem>>)
      "tpu.region"() ({
        %run_scoped3A = tpu.sem_alloc : memref<!tpu.dma_semaphore, #tpu.memory_space<semaphore_mem>>
        %dma_start3A_138 = arith.constant 0 : i32
        %dma_start3A_139 = tpu.memref_slice %arg7[%scan3A_127, %dma_start3A_138] : memref<79x128xi32, #tpu.memory_space<vmem>> -> memref<1x128xi32, #tpu.memory_space<vmem>>
        %dma_start3A_140 = tpu.memref_squeeze %dma_start3A_139 : memref<1x128xi32, #tpu.memory_space<vmem>> -> memref<128xi32, #tpu.memory_space<vmem>>
        %dma_start3A_141 = arith.constant 0 : i32
        %dma_start3A_142 = arith.constant 0 : i32
        %dma_start3A_143 = tpu.memref_slice %arg11[%dma_start3A_141, %dma_start3A_142] : memref<10240x128xf32, #tpu.memory_space<vmem_shared>> -> memref<10240x128xf32, #tpu.memory_space<vmem_shared>>
        tpu.enqueue_indirect_dma source(%arg8 : memref<128x128xf32, #tpu.memory_space<vmem>>) target(%dma_start3A_143 : memref<10240x128xf32, #tpu.memory_space<vmem_shared>>) offsets(%dma_start3A_140 : memref<128xi32, #tpu.memory_space<vmem>>) semaphore(%run_scoped3A : memref<!tpu.dma_semaphore, #tpu.memory_space<semaphore_mem>>) {add = true}
        %dma_wait3A_144 = arith.constant 0 : i32
        %dma_wait3A_145 = tpu.memref_slice %arg7[%scan3A_127, %dma_wait3A_144] : memref<79x128xi32, #tpu.memory_space<vmem>> -> memref<1x128xi32, #tpu.memory_space<vmem>>
        %dma_wait3A_146 = tpu.memref_squeeze %dma_wait3A_145 : memref<1x128xi32, #tpu.memory_space<vmem>> -> memref<128xi32, #tpu.memory_space<vmem>>
        %dma_wait3A_147 = arith.constant 0 : i32
        %dma_wait3A_148 = arith.constant 0 : i32
        %dma_wait3A_149 = tpu.memref_slice %arg11[%dma_wait3A_147, %dma_wait3A_148] : memref<10240x128xf32, #tpu.memory_space<vmem_shared>> -> memref<10240x128xf32, #tpu.memory_space<vmem_shared>>
        tpu.wait_indirect_dma semaphore(%run_scoped3A : memref<!tpu.dma_semaphore, #tpu.memory_space<semaphore_mem>>) src(%arg8 : memref<128x128xf32, #tpu.memory_space<vmem>>) dst(%dma_wait3A_149 : memref<10240x128xf32, #tpu.memory_space<vmem_shared>>)
        tpu.yield
      }) : () -> ()
    }
    %scan3A_95 = arith.constant 79 : i32
    %barrier3A_96 = arith.constant 0 : index
    tpu.barrier barrier_id(%barrier3A_96)
    %mul3A_97 = arith.constant 5 : i32
    %mul3A_98 = arith.muli %arg1, %mul3A_97 : i32
    %add3A_99 = arith.constant 0 : i32
    %add3A_100 = arith.addi %mul3A_98, %add3A_99 : i32
    %mul3A_101 = arith.constant 128 : i32
    %mul3A_102 = arith.muli %add3A_100, %mul3A_101 : i32
    "tpu.region"() ({
      %run_scoped3A = tpu.sem_alloc : memref<!tpu.dma_semaphore, #tpu.memory_space<semaphore_mem>>
      %dma_start3A = arith.constant 0 : i32
      %dma_start3A_127 = tpu.memref_slice %arg11[%mul3A_102, %dma_start3A] : memref<10240x128xf32, #tpu.memory_space<vmem_shared>> -> memref<128x128xf32, #tpu.memory_space<vmem_shared>>
      %dma_start3A_128 = arith.constant 0 : i32
      %dma_start3A_129 = tpu.memref_slice %arg11[%mul3A_102, %dma_start3A_128] : memref<10240x128xf32, #tpu.memory_space<vmem_shared>> -> memref<128x128xf32, #tpu.memory_space<vmem_shared>>
      tpu.enqueue_dma source(%dma_start3A_129 : memref<128x128xf32, #tpu.memory_space<vmem_shared>>) target(%arg8 : memref<128x128xf32, #tpu.memory_space<vmem>>) target_semaphore(%run_scoped3A : memref<!tpu.dma_semaphore, #tpu.memory_space<semaphore_mem>>)
      %dma_wait3A = arith.constant 0 : i32
      %dma_wait3A_130 = tpu.memref_slice %arg11[%mul3A_102, %dma_wait3A] : memref<10240x128xf32, #tpu.memory_space<vmem_shared>> -> memref<128x128xf32, #tpu.memory_space<vmem_shared>>
      %dma_wait3A_131 = arith.constant 0 : i32
      %dma_wait3A_132 = tpu.memref_slice %arg11[%mul3A_102, %dma_wait3A_131] : memref<10240x128xf32, #tpu.memory_space<vmem_shared>> -> memref<128x128xf32, #tpu.memory_space<vmem_shared>>
      tpu.wait_dma2 semaphore(%run_scoped3A : memref<!tpu.dma_semaphore, #tpu.memory_space<semaphore_mem>>) src(%dma_wait3A_132 : memref<128x128xf32, #tpu.memory_space<vmem_shared>>) dst(%arg8 : memref<128x128xf32, #tpu.memory_space<vmem>>)
      tpu.yield
    }) : () -> ()
    "tpu.region"() ({
      %run_scoped3A = tpu.sem_alloc : memref<!tpu.dma_semaphore, #tpu.memory_space<semaphore_mem>>
      %dma_start3A = arith.constant 0 : i32
      %dma_start3A_127 = tpu.memref_slice %arg5[%arg0, %mul3A_102, %dma_start3A] : memref<2x10240x128xf32, #tpu.memory_space<hbm>> -> memref<1x128x128xf32, #tpu.memory_space<hbm>>
      %dma_start3A_128 = tpu.memref_squeeze %dma_start3A_127 : memref<1x128x128xf32, #tpu.memory_space<hbm>> -> memref<128x128xf32, #tpu.memory_space<hbm>>
      %dma_start3A_129 = arith.constant 0 : i32
      %dma_start3A_130 = tpu.memref_slice %arg5[%arg0, %mul3A_102, %dma_start3A_129] : memref<2x10240x128xf32, #tpu.memory_space<hbm>> -> memref<1x128x128xf32, #tpu.memory_space<hbm>>
      %dma_start3A_131 = tpu.memref_squeeze %dma_start3A_130 : memref<1x128x128xf32, #tpu.memory_space<hbm>> -> memref<128x128xf32, #tpu.memory_space<hbm>>
      tpu.enqueue_dma source(%arg8 : memref<128x128xf32, #tpu.memory_space<vmem>>) target(%dma_start3A_131 : memref<128x128xf32, #tpu.memory_space<hbm>>) target_semaphore(%run_scoped3A : memref<!tpu.dma_semaphore, #tpu.memory_space<semaphore_mem>>)
      %dma_wait3A = arith.constant 0 : i32
      %dma_wait3A_132 = tpu.memref_slice %arg5[%arg0, %mul3A_102, %dma_wait3A] : memref<2x10240x128xf32, #tpu.memory_space<hbm>> -> memref<1x128x128xf32, #tpu.memory_space<hbm>>
      %dma_wait3A_133 = tpu.memref_squeeze %dma_wait3A_132 : memref<1x128x128xf32, #tpu.memory_space<hbm>> -> memref<128x128xf32, #tpu.memory_space<hbm>>
      %dma_wait3A_134 = arith.constant 0 : i32
      %dma_wait3A_135 = tpu.memref_slice %arg5[%arg0, %mul3A_102, %dma_wait3A_134] : memref<2x10240x128xf32, #tpu.memory_space<hbm>> -> memref<1x128x128xf32, #tpu.memory_space<hbm>>
      %dma_wait3A_136 = tpu.memref_squeeze %dma_wait3A_135 : memref<1x128x128xf32, #tpu.memory_space<hbm>> -> memref<128x128xf32, #tpu.memory_space<hbm>>
      tpu.wait_dma2 semaphore(%run_scoped3A : memref<!tpu.dma_semaphore, #tpu.memory_space<semaphore_mem>>) src(%arg8 : memref<128x128xf32, #tpu.memory_space<vmem>>) dst(%dma_wait3A_136 : memref<128x128xf32, #tpu.memory_space<hbm>>)
      tpu.yield
    }) : () -> ()
    %mul3A_103 = arith.constant 5 : i32
    %mul3A_104 = arith.muli %arg1, %mul3A_103 : i32
    %add3A_105 = arith.constant 1 : i32
    %add3A_106 = arith.addi %mul3A_104, %add3A_105 : i32
    %mul3A_107 = arith.constant 128 : i32
    %mul3A_108 = arith.muli %add3A_106, %mul3A_107 : i32
    "tpu.region"() ({
      %run_scoped3A = tpu.sem_alloc : memref<!tpu.dma_semaphore, #tpu.memory_space<semaphore_mem>>
      %dma_start3A = arith.constant 0 : i32
      %dma_start3A_127 = tpu.memref_slice %arg11[%mul3A_108, %dma_start3A] : memref<10240x128xf32, #tpu.memory_space<vmem_shared>> -> memref<128x128xf32, #tpu.memory_space<vmem_shared>>
      %dma_start3A_128 = arith.constant 0 : i32
      %dma_start3A_129 = tpu.memref_slice %arg11[%mul3A_108, %dma_start3A_128] : memref<10240x128xf32, #tpu.memory_space<vmem_shared>> -> memref<128x128xf32, #tpu.memory_space<vmem_shared>>
      tpu.enqueue_dma source(%dma_start3A_129 : memref<128x128xf32, #tpu.memory_space<vmem_shared>>) target(%arg8 : memref<128x128xf32, #tpu.memory_space<vmem>>) target_semaphore(%run_scoped3A : memref<!tpu.dma_semaphore, #tpu.memory_space<semaphore_mem>>)
      %dma_wait3A = arith.constant 0 : i32
      %dma_wait3A_130 = tpu.memref_slice %arg11[%mul3A_108, %dma_wait3A] : memref<10240x128xf32, #tpu.memory_space<vmem_shared>> -> memref<128x128xf32, #tpu.memory_space<vmem_shared>>
      %dma_wait3A_131 = arith.constant 0 : i32
      %dma_wait3A_132 = tpu.memref_slice %arg11[%mul3A_108, %dma_wait3A_131] : memref<10240x128xf32, #tpu.memory_space<vmem_shared>> -> memref<128x128xf32, #tpu.memory_space<vmem_shared>>
      tpu.wait_dma2 semaphore(%run_scoped3A : memref<!tpu.dma_semaphore, #tpu.memory_space<semaphore_mem>>) src(%dma_wait3A_132 : memref<128x128xf32, #tpu.memory_space<vmem_shared>>) dst(%arg8 : memref<128x128xf32, #tpu.memory_space<vmem>>)
      tpu.yield
    }) : () -> ()
    "tpu.region"() ({
      %run_scoped3A = tpu.sem_alloc : memref<!tpu.dma_semaphore, #tpu.memory_space<semaphore_mem>>
      %dma_start3A = arith.constant 0 : i32
      %dma_start3A_127 = tpu.memref_slice %arg5[%arg0, %mul3A_108, %dma_start3A] : memref<2x10240x128xf32, #tpu.memory_space<hbm>> -> memref<1x128x128xf32, #tpu.memory_space<hbm>>
      %dma_start3A_128 = tpu.memref_squeeze %dma_start3A_127 : memref<1x128x128xf32, #tpu.memory_space<hbm>> -> memref<128x128xf32, #tpu.memory_space<hbm>>
      %dma_start3A_129 = arith.constant 0 : i32
      %dma_start3A_130 = tpu.memref_slice %arg5[%arg0, %mul3A_108, %dma_start3A_129] : memref<2x10240x128xf32, #tpu.memory_space<hbm>> -> memref<1x128x128xf32, #tpu.memory_space<hbm>>
      %dma_start3A_131 = tpu.memref_squeeze %dma_start3A_130 : memref<1x128x128xf32, #tpu.memory_space<hbm>> -> memref<128x128xf32, #tpu.memory_space<hbm>>
      tpu.enqueue_dma source(%arg8 : memref<128x128xf32, #tpu.memory_space<vmem>>) target(%dma_start3A_131 : memref<128x128xf32, #tpu.memory_space<hbm>>) target_semaphore(%run_scoped3A : memref<!tpu.dma_semaphore, #tpu.memory_space<semaphore_mem>>)
      %dma_wait3A = arith.constant 0 : i32
      %dma_wait3A_132 = tpu.memref_slice %arg5[%arg0, %mul3A_108, %dma_wait3A] : memref<2x10240x128xf32, #tpu.memory_space<hbm>> -> memref<1x128x128xf32, #tpu.memory_space<hbm>>
      %dma_wait3A_133 = tpu.memref_squeeze %dma_wait3A_132 : memref<1x128x128xf32, #tpu.memory_space<hbm>> -> memref<128x128xf32, #tpu.memory_space<hbm>>
      %dma_wait3A_134 = arith.constant 0 : i32
      %dma_wait3A_135 = tpu.memref_slice %arg5[%arg0, %mul3A_108, %dma_wait3A_134] : memref<2x10240x128xf32, #tpu.memory_space<hbm>> -> memref<1x128x128xf32, #tpu.memory_space<hbm>>
      %dma_wait3A_136 = tpu.memref_squeeze %dma_wait3A_135 : memref<1x128x128xf32, #tpu.memory_space<hbm>> -> memref<128x128xf32, #tpu.memory_space<hbm>>
      tpu.wait_dma2 semaphore(%run_scoped3A : memref<!tpu.dma_semaphore, #tpu.memory_space<semaphore_mem>>) src(%arg8 : memref<128x128xf32, #tpu.memory_space<vmem>>) dst(%dma_wait3A_136 : memref<128x128xf32, #tpu.memory_space<hbm>>)
      tpu.yield
    }) : () -> ()
    %mul3A_109 = arith.constant 5 : i32
    %mul3A_110 = arith.muli %arg1, %mul3A_109 : i32
    %add3A_111 = arith.constant 2 : i32
    %add3A_112 = arith.addi %mul3A_110, %add3A_111 : i32
    %mul3A_113 = arith.constant 128 : i32
    %mul3A_114 = arith.muli %add3A_112, %mul3A_113 : i32
    "tpu.region"() ({
      %run_scoped3A = tpu.sem_alloc : memref<!tpu.dma_semaphore, #tpu.memory_space<semaphore_mem>>
      %dma_start3A = arith.constant 0 : i32
      %dma_start3A_127 = tpu.memref_slice %arg11[%mul3A_114, %dma_start3A] : memref<10240x128xf32, #tpu.memory_space<vmem_shared>> -> memref<128x128xf32, #tpu.memory_space<vmem_shared>>
      %dma_start3A_128 = arith.constant 0 : i32
      %dma_start3A_129 = tpu.memref_slice %arg11[%mul3A_114, %dma_start3A_128] : memref<10240x128xf32, #tpu.memory_space<vmem_shared>> -> memref<128x128xf32, #tpu.memory_space<vmem_shared>>
      tpu.enqueue_dma source(%dma_start3A_129 : memref<128x128xf32, #tpu.memory_space<vmem_shared>>) target(%arg8 : memref<128x128xf32, #tpu.memory_space<vmem>>) target_semaphore(%run_scoped3A : memref<!tpu.dma_semaphore, #tpu.memory_space<semaphore_mem>>)
      %dma_wait3A = arith.constant 0 : i32
      %dma_wait3A_130 = tpu.memref_slice %arg11[%mul3A_114, %dma_wait3A] : memref<10240x128xf32, #tpu.memory_space<vmem_shared>> -> memref<128x128xf32, #tpu.memory_space<vmem_shared>>
      %dma_wait3A_131 = arith.constant 0 : i32
      %dma_wait3A_132 = tpu.memref_slice %arg11[%mul3A_114, %dma_wait3A_131] : memref<10240x128xf32, #tpu.memory_space<vmem_shared>> -> memref<128x128xf32, #tpu.memory_space<vmem_shared>>
      tpu.wait_dma2 semaphore(%run_scoped3A : memref<!tpu.dma_semaphore, #tpu.memory_space<semaphore_mem>>) src(%dma_wait3A_132 : memref<128x128xf32, #tpu.memory_space<vmem_shared>>) dst(%arg8 : memref<128x128xf32, #tpu.memory_space<vmem>>)
      tpu.yield
    }) : () -> ()
    "tpu.region"() ({
      %run_scoped3A = tpu.sem_alloc : memref<!tpu.dma_semaphore, #tpu.memory_space<semaphore_mem>>
      %dma_start3A = arith.constant 0 : i32
      %dma_start3A_127 = tpu.memref_slice %arg5[%arg0, %mul3A_114, %dma_start3A] : memref<2x10240x128xf32, #tpu.memory_space<hbm>> -> memref<1x128x128xf32, #tpu.memory_space<hbm>>
      %dma_start3A_128 = tpu.memref_squeeze %dma_start3A_127 : memref<1x128x128xf32, #tpu.memory_space<hbm>> -> memref<128x128xf32, #tpu.memory_space<hbm>>
      %dma_start3A_129 = arith.constant 0 : i32
      %dma_start3A_130 = tpu.memref_slice %arg5[%arg0, %mul3A_114, %dma_start3A_129] : memref<2x10240x128xf32, #tpu.memory_space<hbm>> -> memref<1x128x128xf32, #tpu.memory_space<hbm>>
      %dma_start3A_131 = tpu.memref_squeeze %dma_start3A_130 : memref<1x128x128xf32, #tpu.memory_space<hbm>> -> memref<128x128xf32, #tpu.memory_space<hbm>>
      tpu.enqueue_dma source(%arg8 : memref<128x128xf32, #tpu.memory_space<vmem>>) target(%dma_start3A_131 : memref<128x128xf32, #tpu.memory_space<hbm>>) target_semaphore(%run_scoped3A : memref<!tpu.dma_semaphore, #tpu.memory_space<semaphore_mem>>)
      %dma_wait3A = arith.constant 0 : i32
      %dma_wait3A_132 = tpu.memref_slice %arg5[%arg0, %mul3A_114, %dma_wait3A] : memref<2x10240x128xf32, #tpu.memory_space<hbm>> -> memref<1x128x128xf32, #tpu.memory_space<hbm>>
      %dma_wait3A_133 = tpu.memref_squeeze %dma_wait3A_132 : memref<1x128x128xf32, #tpu.memory_space<hbm>> -> memref<128x128xf32, #tpu.memory_space<hbm>>
      %dma_wait3A_134 = arith.constant 0 : i32
      %dma_wait3A_135 = tpu.memref_slice %arg5[%arg0, %mul3A_114, %dma_wait3A_134] : memref<2x10240x128xf32, #tpu.memory_space<hbm>> -> memref<1x128x128xf32, #tpu.memory_space<hbm>>
      %dma_wait3A_136 = tpu.memref_squeeze %dma_wait3A_135 : memref<1x128x128xf32, #tpu.memory_space<hbm>> -> memref<128x128xf32, #tpu.memory_space<hbm>>
      tpu.wait_dma2 semaphore(%run_scoped3A : memref<!tpu.dma_semaphore, #tpu.memory_space<semaphore_mem>>) src(%arg8 : memref<128x128xf32, #tpu.memory_space<vmem>>) dst(%dma_wait3A_136 : memref<128x128xf32, #tpu.memory_space<hbm>>)
      tpu.yield
    }) : () -> ()
    %mul3A_115 = arith.constant 5 : i32
    %mul3A_116 = arith.muli %arg1, %mul3A_115 : i32
    %add3A_117 = arith.constant 3 : i32
    %add3A_118 = arith.addi %mul3A_116, %add3A_117 : i32
    %mul3A_119 = arith.constant 128 : i32
    %mul3A_120 = arith.muli %add3A_118, %mul3A_119 : i32
    "tpu.region"() ({
      %run_scoped3A = tpu.sem_alloc : memref<!tpu.dma_semaphore, #tpu.memory_space<semaphore_mem>>
      %dma_start3A = arith.constant 0 : i32
      %dma_start3A_127 = tpu.memref_slice %arg11[%mul3A_120, %dma_start3A] : memref<10240x128xf32, #tpu.memory_space<vmem_shared>> -> memref<128x128xf32, #tpu.memory_space<vmem_shared>>
      %dma_start3A_128 = arith.constant 0 : i32
      %dma_start3A_129 = tpu.memref_slice %arg11[%mul3A_120, %dma_start3A_128] : memref<10240x128xf32, #tpu.memory_space<vmem_shared>> -> memref<128x128xf32, #tpu.memory_space<vmem_shared>>
      tpu.enqueue_dma source(%dma_start3A_129 : memref<128x128xf32, #tpu.memory_space<vmem_shared>>) target(%arg8 : memref<128x128xf32, #tpu.memory_space<vmem>>) target_semaphore(%run_scoped3A : memref<!tpu.dma_semaphore, #tpu.memory_space<semaphore_mem>>)
      %dma_wait3A = arith.constant 0 : i32
      %dma_wait3A_130 = tpu.memref_slice %arg11[%mul3A_120, %dma_wait3A] : memref<10240x128xf32, #tpu.memory_space<vmem_shared>> -> memref<128x128xf32, #tpu.memory_space<vmem_shared>>
      %dma_wait3A_131 = arith.constant 0 : i32
      %dma_wait3A_132 = tpu.memref_slice %arg11[%mul3A_120, %dma_wait3A_131] : memref<10240x128xf32, #tpu.memory_space<vmem_shared>> -> memref<128x128xf32, #tpu.memory_space<vmem_shared>>
      tpu.wait_dma2 semaphore(%run_scoped3A : memref<!tpu.dma_semaphore, #tpu.memory_space<semaphore_mem>>) src(%dma_wait3A_132 : memref<128x128xf32, #tpu.memory_space<vmem_shared>>) dst(%arg8 : memref<128x128xf32, #tpu.memory_space<vmem>>)
      tpu.yield
    }) : () -> ()
    "tpu.region"() ({
      %run_scoped3A = tpu.sem_alloc : memref<!tpu.dma_semaphore, #tpu.memory_space<semaphore_mem>>
      %dma_start3A = arith.constant 0 : i32
      %dma_start3A_127 = tpu.memref_slice %arg5[%arg0, %mul3A_120, %dma_start3A] : memref<2x10240x128xf32, #tpu.memory_space<hbm>> -> memref<1x128x128xf32, #tpu.memory_space<hbm>>
      %dma_start3A_128 = tpu.memref_squeeze %dma_start3A_127 : memref<1x128x128xf32, #tpu.memory_space<hbm>> -> memref<128x128xf32, #tpu.memory_space<hbm>>
      %dma_start3A_129 = arith.constant 0 : i32
      %dma_start3A_130 = tpu.memref_slice %arg5[%arg0, %mul3A_120, %dma_start3A_129] : memref<2x10240x128xf32, #tpu.memory_space<hbm>> -> memref<1x128x128xf32, #tpu.memory_space<hbm>>
      %dma_start3A_131 = tpu.memref_squeeze %dma_start3A_130 : memref<1x128x128xf32, #tpu.memory_space<hbm>> -> memref<128x128xf32, #tpu.memory_space<hbm>>
      tpu.enqueue_dma source(%arg8 : memref<128x128xf32, #tpu.memory_space<vmem>>) target(%dma_start3A_131 : memref<128x128xf32, #tpu.memory_space<hbm>>) target_semaphore(%run_scoped3A : memref<!tpu.dma_semaphore, #tpu.memory_space<semaphore_mem>>)
      %dma_wait3A = arith.constant 0 : i32
      %dma_wait3A_132 = tpu.memref_slice %arg5[%arg0, %mul3A_120, %dma_wait3A] : memref<2x10240x128xf32, #tpu.memory_space<hbm>> -> memref<1x128x128xf32, #tpu.memory_space<hbm>>
      %dma_wait3A_133 = tpu.memref_squeeze %dma_wait3A_132 : memref<1x128x128xf32, #tpu.memory_space<hbm>> -> memref<128x128xf32, #tpu.memory_space<hbm>>
      %dma_wait3A_134 = arith.constant 0 : i32
      %dma_wait3A_135 = tpu.memref_slice %arg5[%arg0, %mul3A_120, %dma_wait3A_134] : memref<2x10240x128xf32, #tpu.memory_space<hbm>> -> memref<1x128x128xf32, #tpu.memory_space<hbm>>
      %dma_wait3A_136 = tpu.memref_squeeze %dma_wait3A_135 : memref<1x128x128xf32, #tpu.memory_space<hbm>> -> memref<128x128xf32, #tpu.memory_space<hbm>>
      tpu.wait_dma2 semaphore(%run_scoped3A : memref<!tpu.dma_semaphore, #tpu.memory_space<semaphore_mem>>) src(%arg8 : memref<128x128xf32, #tpu.memory_space<vmem>>) dst(%dma_wait3A_136 : memref<128x128xf32, #tpu.memory_space<hbm>>)
      tpu.yield
    }) : () -> ()
    %mul3A_121 = arith.constant 5 : i32
    %mul3A_122 = arith.muli %arg1, %mul3A_121 : i32
    %add3A_123 = arith.constant 4 : i32
    %add3A_124 = arith.addi %mul3A_122, %add3A_123 : i32
    %mul3A_125 = arith.constant 128 : i32
    %mul3A_126 = arith.muli %add3A_124, %mul3A_125 : i32
    "tpu.region"() ({
      %run_scoped3A = tpu.sem_alloc : memref<!tpu.dma_semaphore, #tpu.memory_space<semaphore_mem>>
      %dma_start3A = arith.constant 0 : i32
      %dma_start3A_127 = tpu.memref_slice %arg11[%mul3A_126, %dma_start3A] : memref<10240x128xf32, #tpu.memory_space<vmem_shared>> -> memref<128x128xf32, #tpu.memory_space<vmem_shared>>
      %dma_start3A_128 = arith.constant 0 : i32
      %dma_start3A_129 = tpu.memref_slice %arg11[%mul3A_126, %dma_start3A_128] : memref<10240x128xf32, #tpu.memory_space<vmem_shared>> -> memref<128x128xf32, #tpu.memory_space<vmem_shared>>
      tpu.enqueue_dma source(%dma_start3A_129 : memref<128x128xf32, #tpu.memory_space<vmem_shared>>) target(%arg8 : memref<128x128xf32, #tpu.memory_space<vmem>>) target_semaphore(%run_scoped3A : memref<!tpu.dma_semaphore, #tpu.memory_space<semaphore_mem>>)
      %dma_wait3A = arith.constant 0 : i32
      %dma_wait3A_130 = tpu.memref_slice %arg11[%mul3A_126, %dma_wait3A] : memref<10240x128xf32, #tpu.memory_space<vmem_shared>> -> memref<128x128xf32, #tpu.memory_space<vmem_shared>>
      %dma_wait3A_131 = arith.constant 0 : i32
      %dma_wait3A_132 = tpu.memref_slice %arg11[%mul3A_126, %dma_wait3A_131] : memref<10240x128xf32, #tpu.memory_space<vmem_shared>> -> memref<128x128xf32, #tpu.memory_space<vmem_shared>>
      tpu.wait_dma2 semaphore(%run_scoped3A : memref<!tpu.dma_semaphore, #tpu.memory_space<semaphore_mem>>) src(%dma_wait3A_132 : memref<128x128xf32, #tpu.memory_space<vmem_shared>>) dst(%arg8 : memref<128x128xf32, #tpu.memory_space<vmem>>)
      tpu.yield
    }) : () -> ()
    "tpu.region"() ({
      %run_scoped3A = tpu.sem_alloc : memref<!tpu.dma_semaphore, #tpu.memory_space<semaphore_mem>>
      %dma_start3A = arith.constant 0 : i32
      %dma_start3A_127 = tpu.memref_slice %arg5[%arg0, %mul3A_126, %dma_start3A] : memref<2x10240x128xf32, #tpu.memory_space<hbm>> -> memref<1x128x128xf32, #tpu.memory_space<hbm>>
      %dma_start3A_128 = tpu.memref_squeeze %dma_start3A_127 : memref<1x128x128xf32, #tpu.memory_space<hbm>> -> memref<128x128xf32, #tpu.memory_space<hbm>>
      %dma_start3A_129 = arith.constant 0 : i32
      %dma_start3A_130 = tpu.memref_slice %arg5[%arg0, %mul3A_126, %dma_start3A_129] : memref<2x10240x128xf32, #tpu.memory_space<hbm>> -> memref<1x128x128xf32, #tpu.memory_space<hbm>>
      %dma_start3A_131 = tpu.memref_squeeze %dma_start3A_130 : memref<1x128x128xf32, #tpu.memory_space<hbm>> -> memref<128x128xf32, #tpu.memory_space<hbm>>
      tpu.enqueue_dma source(%arg8 : memref<128x128xf32, #tpu.memory_space<vmem>>) target(%dma_start3A_131 : memref<128x128xf32, #tpu.memory_space<hbm>>) target_semaphore(%run_scoped3A : memref<!tpu.dma_semaphore, #tpu.memory_space<semaphore_mem>>)
      %dma_wait3A = arith.constant 0 : i32
      %dma_wait3A_132 = tpu.memref_slice %arg5[%arg0, %mul3A_126, %dma_wait3A] : memref<2x10240x128xf32, #tpu.memory_space<hbm>> -> memref<1x128x128xf32, #tpu.memory_space<hbm>>
      %dma_wait3A_133 = tpu.memref_squeeze %dma_wait3A_132 : memref<1x128x128xf32, #tpu.memory_space<hbm>> -> memref<128x128xf32, #tpu.memory_space<hbm>>
      %dma_wait3A_134 = arith.constant 0 : i32
      %dma_wait3A_135 = tpu.memref_slice %arg5[%arg0, %mul3A_126, %dma_wait3A_134] : memref<2x10240x128xf32, #tpu.memory_space<hbm>> -> memref<1x128x128xf32, #tpu.memory_space<hbm>>
      %dma_wait3A_136 = tpu.memref_squeeze %dma_wait3A_135 : memref<1x128x128xf32, #tpu.memory_space<hbm>> -> memref<128x128xf32, #tpu.memory_space<hbm>>
      tpu.wait_dma2 semaphore(%run_scoped3A : memref<!tpu.dma_semaphore, #tpu.memory_space<semaphore_mem>>) src(%arg8 : memref<128x128xf32, #tpu.memory_space<vmem>>) dst(%dma_wait3A_136 : memref<128x128xf32, #tpu.memory_space<hbm>>)
      tpu.yield
    }) : () -> ()
    return
  }
}

module attributes {stable_mosaic.version = 14 : i64} {
  func.func @_t1_body(%arg0: i32, %arg1: memref<128x128xf32, #tpu.memory_space<vmem>>, %arg2: memref<128x128xf32, #tpu.memory_space<vmem>>, %arg3: memref<128x128xf32, #tpu.memory_space<vmem>>, %arg4: memref<128x128xf32, #tpu.memory_space<vmem>>) attributes {dimension_semantics = [#tpu.dimension_semantics<arbitrary>], iteration_bounds = array<i64: 80>, scalar_prefetch = 0 : i64, scratch_operands = 0 : i64, tpu.core_type = #tpu.core_type<tc>, window_params = [{transform_indices = @transform_0, window_bounds = array<i64: 128, 128>}, {pipeline_mode = #tpu.pipeline_mode<synchronous>, transform_indices = @transform_1, window_bounds = array<i64: 128, 128>}, {transform_indices = @transform_2, window_bounds = array<i64: 128, 128>}, {transform_indices = @transform_3, window_bounds = array<i64: 128, 128>}]} {
    %get3A = arith.constant 0 : index
    %get3A_0 = arith.constant 0 : index
    %get3A_1 = vector.load %arg1[%get3A, %get3A_0] : memref<128x128xf32, #tpu.memory_space<vmem>>, vector<128x128xf32>
    %transpose3A = tpu.transpose %get3A_1, [1, 0] : vector<128x128xf32> -> vector<128x128xf32>
    %swap3A = arith.constant 0 : index
    %swap3A_2 = arith.constant 0 : index
    %swap3A_3 = vector.load %arg3[%swap3A, %swap3A_2] : memref<128x128xf32, #tpu.memory_space<vmem>>, vector<128x128xf32>
    tpu.vector_store %arg3[%swap3A, %swap3A_2], %transpose3A {strides = array<i32>} : memref<128x128xf32, #tpu.memory_space<vmem>>, vector<128x128xf32>,
    %get3A_4 = arith.constant 0 : index
    %get3A_5 = arith.constant 0 : index
    %get3A_6 = vector.load %arg2[%get3A_4, %get3A_5] : memref<128x128xf32, #tpu.memory_space<vmem>>, vector<128x128xf32>
    %dot_general3A = arith.constant dense<0.000000e+00> : vector<128x128xf32>
    %dot_general3A_7 = tpu.matmul %get3A_1, %get3A_6, %dot_general3A {dimension_numbers = #tpu.dot_dimension_numbers<[0], [0], [1], [1], [0, 1, 1, 1], [], []>, transpose_lhs_hint = false} : vector<128x128xf32>, vector<128x128xf32>, vector<128x128xf32> -> vector<128x128xf32>
    %swap3A_8 = arith.constant 0 : index
    %swap3A_9 = arith.constant 0 : index
    %swap3A_10 = vector.load %arg4[%swap3A_8, %swap3A_9] : memref<128x128xf32, #tpu.memory_space<vmem>>, vector<128x128xf32>
    tpu.vector_store %arg4[%swap3A_8, %swap3A_9], %dot_general3A_7 {strides = array<i32>} : memref<128x128xf32, #tpu.memory_space<vmem>>, vector<128x128xf32>,
    return
  }
  func.func @transform_0(%arg0: i32) -> (i32, i32) {
    %c0_i32 = arith.constant 0 : i32
    %c0_i32_0 = arith.constant 0 : i32
    return %c0_i32, %arg0 : i32, i32
  }
  func.func @transform_1(%arg0: i32) -> (i32, i32) {
    %c0_i32 = arith.constant 0 : i32
    %c0_i32_0 = arith.constant 0 : i32
    %c0_i32_1 = arith.constant 0 : i32
    return %c0_i32, %c0_i32_0 : i32, i32
  }
  func.func @transform_2(%arg0: i32) -> (i32, i32) {
    %c0_i32 = arith.constant 0 : i32
    %c0_i32_0 = arith.constant 0 : i32
    return %arg0, %c0_i32 : i32, i32
  }
  func.func @transform_3(%arg0: i32) -> (i32, i32) {
    %c0_i32 = arith.constant 0 : i32
    %c0_i32_0 = arith.constant 0 : i32
    return %arg0, %c0_i32 : i32, i32
  }
}

module attributes {stable_mosaic.version = 14 : i64} {
  func.func @_t2_body(%arg0: i32, %arg1: memref<128x128xf32, #tpu.memory_space<vmem>>, %arg2: memref<2x128x128xf32, #tpu.memory_space<vmem>>, %arg3: memref<2x128xf32, #tpu.memory_space<vmem>>, %arg4: memref<128x128xf32, #tpu.memory_space<vmem>>, %arg5: memref<1x128xf32, #tpu.memory_space<vmem>>, %arg6: memref<128x128xf32, #tpu.memory_space<vmem>>) attributes {dimension_semantics = [#tpu.dimension_semantics<arbitrary>], iteration_bounds = array<i64: 80>, scalar_prefetch = 0 : i64, scratch_operands = 0 : i64, tpu.core_type = #tpu.core_type<tc>, window_params = [{transform_indices = @transform_0, window_bounds = array<i64: 128, 128>}, {transform_indices = @transform_1, window_bounds = array<i64: 2, 128, 128>}, {transform_indices = @transform_2, window_bounds = array<i64: 2, 128>}, {pipeline_mode = #tpu.pipeline_mode<synchronous>, transform_indices = @transform_3, window_bounds = array<i64: 128, 128>}, {pipeline_mode = #tpu.pipeline_mode<synchronous>, transform_indices = @transform_4, window_bounds = array<i64: 1, 128>}, {transform_indices = @transform_5, window_bounds = array<i64: 128, 128>}]} {
    %get3A = arith.constant 0 : index
    %get3A_0 = arith.constant 0 : index
    %get3A_1 = arith.constant 0 : index
    %get3A_2 = vector.load %arg2[%get3A, %get3A_0, %get3A_1] : memref<2x128x128xf32, #tpu.memory_space<vmem>>, vector<1x128x128xf32>
    %get3A_3 = vector.shape_cast %get3A_2 : vector<1x128x128xf32> to vector<128x128xf32>
    %get3A_4 = arith.constant 1 : index
    %get3A_5 = arith.constant 0 : index
    %get3A_6 = arith.constant 0 : index
    %get3A_7 = vector.load %arg2[%get3A_4, %get3A_5, %get3A_6] : memref<2x128x128xf32, #tpu.memory_space<vmem>>, vector<1x128x128xf32>
    %get3A_8 = vector.shape_cast %get3A_7 : vector<1x128x128xf32> to vector<128x128xf32>
    %add3A = arith.addf %get3A_3, %get3A_8 : vector<128x128xf32>
    %get3A_9 = arith.constant 0 : index
    %get3A_10 = arith.constant 0 : index
    %get3A_11 = vector.load %arg3[%get3A_9, %get3A_10] : memref<2x128xf32, #tpu.memory_space<vmem>>, vector<1x128xf32>
    %get3A_12 = vector.shape_cast %get3A_11 : vector<1x128xf32> to vector<128xf32>
    %get3A_13 = arith.constant 1 : index
    %get3A_14 = arith.constant 0 : index
    %get3A_15 = vector.load %arg3[%get3A_13, %get3A_14] : memref<2x128xf32, #tpu.memory_space<vmem>>, vector<1x128xf32>
    %get3A_16 = vector.shape_cast %get3A_15 : vector<1x128xf32> to vector<128xf32>
    %add3A_17 = arith.addf %get3A_12, %get3A_16 : vector<128xf32>
    %max3A = arith.constant 1.000000e+00 : f32
    %max3A_18 = vector.broadcast %max3A : f32 to vector<128xf32>
    %max3A_19 = arith.maximumf %add3A_17, %max3A_18 : vector<128xf32>
    %div3A = arith.constant 1.000000e+00 : f32
    %div3A_20 = vector.broadcast %div3A : f32 to vector<128xf32>
    %div3A_21 = arith.divf %div3A_20, %max3A_19 : vector<128xf32>
    %broadcast_in_dim3A = vector.shape_cast %div3A_21 : vector<128xf32> to vector<128x1xf32>
    %mul3A = vector.broadcast %broadcast_in_dim3A : vector<128x1xf32> to vector<128x128xf32>
    %mul3A_22 = arith.mulf %add3A, %mul3A : vector<128x128xf32>
    %get3A_23 = arith.constant 0 : index
    %get3A_24 = arith.constant 0 : index
    %get3A_25 = vector.load %arg1[%get3A_23, %get3A_24] : memref<128x128xf32, #tpu.memory_space<vmem>>, vector<128x128xf32>
    %get3A_26 = arith.constant 0 : index
    %get3A_27 = arith.constant 0 : index
    %get3A_28 = vector.load %arg4[%get3A_26, %get3A_27] : memref<128x128xf32, #tpu.memory_space<vmem>>, vector<128x128xf32>
    %dot_general3A = arith.constant dense<0.000000e+00> : vector<128x128xf32>
    %dot_general3A_29 = tpu.matmul %mul3A_22, %get3A_28, %dot_general3A {dimension_numbers = #tpu.dot_dimension_numbers<[1], [0], [0], [1], [0, 0, 1, 1], [], []>, transpose_lhs_hint = false} : vector<128x128xf32>, vector<128x128xf32>, vector<128x128xf32> -> vector<128x128xf32>
    %add3A_30 = arith.addf %get3A_25, %dot_general3A_29 : vector<128x128xf32>
    %get3A_31 = arith.constant 0 : index
    %get3A_32 = arith.constant 0 : index
    %get3A_33 = vector.load %arg5[%get3A_31, %get3A_32] : memref<1x128xf32, #tpu.memory_space<vmem>>, vector<1x128xf32>
    %add3A_34 = vector.broadcast %get3A_33 : vector<1x128xf32> to vector<128x128xf32>
    %add3A_35 = arith.addf %add3A_30, %add3A_34 : vector<128x128xf32>
    %max3A_36 = arith.constant 0.000000e+00 : f32
    %max3A_37 = vector.broadcast %max3A_36 : f32 to vector<128x128xf32>
    %max3A_38 = arith.maximumf %add3A_35, %max3A_37 : vector<128x128xf32>
    %swap3A = arith.constant 0 : index
    %swap3A_39 = arith.constant 0 : index
    %swap3A_40 = vector.load %arg6[%swap3A, %swap3A_39] : memref<128x128xf32, #tpu.memory_space<vmem>>, vector<128x128xf32>
    tpu.vector_store %arg6[%swap3A, %swap3A_39], %max3A_38 {strides = array<i32>} : memref<128x128xf32, #tpu.memory_space<vmem>>, vector<128x128xf32>,
    return
  }
  func.func @transform_0(%arg0: i32) -> (i32, i32) {
    %c0_i32 = arith.constant 0 : i32
    %c0_i32_0 = arith.constant 0 : i32
    return %arg0, %c0_i32 : i32, i32
  }
  func.func @transform_1(%arg0: i32) -> (i32, i32, i32) {
    %c0_i32 = arith.constant 0 : i32
    %c0_i32_0 = arith.constant 0 : i32
    %c0_i32_1 = arith.constant 0 : i32
    return %c0_i32, %arg0, %c0_i32_0 : i32, i32, i32
  }
  func.func @transform_2(%arg0: i32) -> (i32, i32) {
    %c0_i32 = arith.constant 0 : i32
    %c0_i32_0 = arith.constant 0 : i32
    return %c0_i32, %arg0 : i32, i32
  }
  func.func @transform_3(%arg0: i32) -> (i32, i32) {
    %c0_i32 = arith.constant 0 : i32
    %c0_i32_0 = arith.constant 0 : i32
    %c0_i32_1 = arith.constant 0 : i32
    return %c0_i32, %c0_i32_0 : i32, i32
  }
  func.func @transform_4(%arg0: i32) -> (i32, i32) {
    %c0_i32 = arith.constant 0 : i32
    %c0_i32_0 = arith.constant 0 : i32
    %c0_i32_1 = arith.constant 0 : i32
    return %c0_i32, %c0_i32_0 : i32, i32
  }
  func.func @transform_5(%arg0: i32) -> (i32, i32) {
    %c0_i32 = arith.constant 0 : i32
    %c0_i32_0 = arith.constant 0 : i32
    return %arg0, %c0_i32 : i32, i32
  }
}

module attributes {stable_mosaic.version = 14 : i64} {
  func.func @_t3_body(%arg0: i32, %arg1: memref<128x128xf32, #tpu.memory_space<vmem>>, %arg2: memref<2x128x128xf32, #tpu.memory_space<vmem>>, %arg3: memref<2x128xf32, #tpu.memory_space<vmem>>, %arg4: memref<128x128xf32, #tpu.memory_space<vmem>>, %arg5: memref<128x128xf32, #tpu.memory_space<vmem>>, %arg6: memref<1x128xf32, #tpu.memory_space<vmem>>, %arg7: memref<128x128xf32, #tpu.memory_space<vmem>>) attributes {dimension_semantics = [#tpu.dimension_semantics<arbitrary>], iteration_bounds = array<i64: 80>, scalar_prefetch = 0 : i64, scratch_operands = 0 : i64, tpu.core_type = #tpu.core_type<tc>, window_params = [{transform_indices = @transform_0, window_bounds = array<i64: 128, 128>}, {transform_indices = @transform_1, window_bounds = array<i64: 2, 128, 128>}, {transform_indices = @transform_2, window_bounds = array<i64: 2, 128>}, {pipeline_mode = #tpu.pipeline_mode<synchronous>, transform_indices = @transform_3, window_bounds = array<i64: 128, 128>}, {pipeline_mode = #tpu.pipeline_mode<synchronous>, transform_indices = @transform_4, window_bounds = array<i64: 128, 128>}, {pipeline_mode = #tpu.pipeline_mode<synchronous>, transform_indices = @transform_5, window_bounds = array<i64: 1, 128>}, {transform_indices = @transform_6, window_bounds = array<i64: 128, 128>}]} {
    %get3A = arith.constant 0 : index
    %get3A_0 = arith.constant 0 : index
    %get3A_1 = arith.constant 0 : index
    %get3A_2 = vector.load %arg2[%get3A, %get3A_0, %get3A_1] : memref<2x128x128xf32, #tpu.memory_space<vmem>>, vector<1x128x128xf32>
    %get3A_3 = vector.shape_cast %get3A_2 : vector<1x128x128xf32> to vector<128x128xf32>
    %get3A_4 = arith.constant 1 : index
    %get3A_5 = arith.constant 0 : index
    %get3A_6 = arith.constant 0 : index
    %get3A_7 = vector.load %arg2[%get3A_4, %get3A_5, %get3A_6] : memref<2x128x128xf32, #tpu.memory_space<vmem>>, vector<1x128x128xf32>
    %get3A_8 = vector.shape_cast %get3A_7 : vector<1x128x128xf32> to vector<128x128xf32>
    %add3A = arith.addf %get3A_3, %get3A_8 : vector<128x128xf32>
    %get3A_9 = arith.constant 0 : index
    %get3A_10 = arith.constant 0 : index
    %get3A_11 = vector.load %arg3[%get3A_9, %get3A_10] : memref<2x128xf32, #tpu.memory_space<vmem>>, vector<1x128xf32>
    %get3A_12 = vector.shape_cast %get3A_11 : vector<1x128xf32> to vector<128xf32>
    %get3A_13 = arith.constant 1 : index
    %get3A_14 = arith.constant 0 : index
    %get3A_15 = vector.load %arg3[%get3A_13, %get3A_14] : memref<2x128xf32, #tpu.memory_space<vmem>>, vector<1x128xf32>
    %get3A_16 = vector.shape_cast %get3A_15 : vector<1x128xf32> to vector<128xf32>
    %add3A_17 = arith.addf %get3A_12, %get3A_16 : vector<128xf32>
    %max3A = arith.constant 1.000000e+00 : f32
    %max3A_18 = vector.broadcast %max3A : f32 to vector<128xf32>
    %max3A_19 = arith.maximumf %add3A_17, %max3A_18 : vector<128xf32>
    %div3A = arith.constant 1.000000e+00 : f32
    %div3A_20 = vector.broadcast %div3A : f32 to vector<128xf32>
    %div3A_21 = arith.divf %div3A_20, %max3A_19 : vector<128xf32>
    %broadcast_in_dim3A = vector.shape_cast %div3A_21 : vector<128xf32> to vector<128x1xf32>
    %mul3A = vector.broadcast %broadcast_in_dim3A : vector<128x1xf32> to vector<128x128xf32>
    %mul3A_22 = arith.mulf %add3A, %mul3A : vector<128x128xf32>
    %get3A_23 = arith.constant 0 : index
    %get3A_24 = arith.constant 0 : index
    %get3A_25 = vector.load %arg4[%get3A_23, %get3A_24] : memref<128x128xf32, #tpu.memory_space<vmem>>, vector<128x128xf32>
    %get3A_26 = arith.constant 0 : index
    %get3A_27 = arith.constant 0 : index
    %get3A_28 = vector.load %arg1[%get3A_26, %get3A_27] : memref<128x128xf32, #tpu.memory_space<vmem>>, vector<128x128xf32>
    %dot_general3A = arith.constant dense<0.000000e+00> : vector<128x128xf32>
    %dot_general3A_29 = tpu.matmul %get3A_25, %get3A_28, %dot_general3A {dimension_numbers = #tpu.dot_dimension_numbers<[0], [1], [1], [0], [0, 1, 1, 0], [], []>, transpose_lhs_hint = false} : vector<128x128xf32>, vector<128x128xf32>, vector<128x128xf32> -> vector<128x128xf32>
    %get3A_30 = arith.constant 0 : index
    %get3A_31 = arith.constant 0 : index
    %get3A_32 = vector.load %arg5[%get3A_30, %get3A_31] : memref<128x128xf32, #tpu.memory_space<vmem>>, vector<128x128xf32>
    %dot_general3A_33 = arith.constant dense<0.000000e+00> : vector<128x128xf32>
    %dot_general3A_34 = tpu.matmul %get3A_32, %mul3A_22, %dot_general3A_33 {dimension_numbers = #tpu.dot_dimension_numbers<[0], [1], [1], [0], [0, 1, 1, 0], [], []>, transpose_lhs_hint = false} : vector<128x128xf32>, vector<128x128xf32>, vector<128x128xf32> -> vector<128x128xf32>
    %add3A_35 = arith.addf %dot_general3A_29, %dot_general3A_34 : vector<128x128xf32>
    %get3A_36 = arith.constant 0 : index
    %get3A_37 = arith.constant 0 : index
    %get3A_38 = vector.load %arg6[%get3A_36, %get3A_37] : memref<1x128xf32, #tpu.memory_space<vmem>>, vector<1x128xf32>
    %squeeze3A = vector.shape_cast %get3A_38 : vector<1x128xf32> to vector<128xf32>
    %broadcast_in_dim3A_39 = vector.shape_cast %squeeze3A : vector<128xf32> to vector<128x1xf32>
    %add3A_40 = vector.broadcast %broadcast_in_dim3A_39 : vector<128x1xf32> to vector<128x128xf32>
    %add3A_41 = arith.addf %add3A_35, %add3A_40 : vector<128x128xf32>
    %swap3A = arith.constant 0 : index
    %swap3A_42 = arith.constant 0 : index
    %swap3A_43 = vector.load %arg7[%swap3A, %swap3A_42] : memref<128x128xf32, #tpu.memory_space<vmem>>, vector<128x128xf32>
    tpu.vector_store %arg7[%swap3A, %swap3A_42], %add3A_41 {strides = array<i32>} : memref<128x128xf32, #tpu.memory_space<vmem>>, vector<128x128xf32>,
    return
  }
  func.func @transform_0(%arg0: i32) -> (i32, i32) {
    %c0_i32 = arith.constant 0 : i32
    %c0_i32_0 = arith.constant 0 : i32
    return %arg0, %c0_i32 : i32, i32
  }
  func.func @transform_1(%arg0: i32) -> (i32, i32, i32) {
    %c0_i32 = arith.constant 0 : i32
    %c0_i32_0 = arith.constant 0 : i32
    %c0_i32_1 = arith.constant 0 : i32
    return %c0_i32, %arg0, %c0_i32_0 : i32, i32, i32
  }
  func.func @transform_2(%arg0: i32) -> (i32, i32) {
    %c0_i32 = arith.constant 0 : i32
    %c0_i32_0 = arith.constant 0 : i32
    return %c0_i32, %arg0 : i32, i32
  }
  func.func @transform_3(%arg0: i32) -> (i32, i32) {
    %c0_i32 = arith.constant 0 : i32
    %c0_i32_0 = arith.constant 0 : i32
    %c0_i32_1 = arith.constant 0 : i32
    return %c0_i32, %c0_i32_0 : i32, i32
  }
  func.func @transform_4(%arg0: i32) -> (i32, i32) {
    %c0_i32 = arith.constant 0 : i32
    %c0_i32_0 = arith.constant 0 : i32
    %c0_i32_1 = arith.constant 0 : i32
    return %c0_i32, %c0_i32_0 : i32, i32
  }
  func.func @transform_5(%arg0: i32) -> (i32, i32) {
    %c0_i32 = arith.constant 0 : i32
    %c0_i32_0 = arith.constant 0 : i32
    %c0_i32_1 = arith.constant 0 : i32
    return %c0_i32, %c0_i32_0 : i32, i32
  }
  func.func @transform_6(%arg0: i32) -> (i32, i32) {
    %c0_i32 = arith.constant 0 : i32
    %c0_i32_0 = arith.constant 0 : i32
    return %c0_i32, %arg0 : i32, i32
  }
}

</mosaic_0001>

<sc_bundles>
// kernel: kernel.10.cloned.1.call-start
scs
__scs_entry_jumppad:
0x0: {  	(pc) =	sbr.rel $0x88, $3  }
0x1: {  	(tag) =	ssettag $0x0;
	lr =	simm.s32 $0x1  }
0x2: {  	[smem:$0x3F99] =	sst lr;
	_ =	strace $0xD0000000  }
0x3: {  	_ = 	snop  }
0x4: {  	_ = 	snop  }
0x5: {  	_ = 	snop  }
0x6: {  	_ = 	snop  }
0x7: {  	_ = 	snop  }
__scs_overlays_trampoline_lowered:
0x8: {  	[smem:$0x3FA8] =	sst s0  }
0x9: {  	[smem:$0x3FA9] =	sst s1  }
0xa: {  	[smem:$0x3FAA] =	sst s2  }
0xb: {  	[smem:$0x3FAB] =	sst s3  }
0xc: {  	[smem:$0x3FAC] =	sst s4  }
0xd: {  	[smem:$0x3FAD] =	sst s5  }
0xe: {  	[smem:$0x3FAE] =	sst s6  }
0xf: {  	[smem:$0x3FAF] =	sst s7  }
0x10: {  	[smem:$0x3FB0] =	sst s8  }
0x11: {  	[smem:$0x3FB1] =	sst s9;
	s0 =	simm.s32 @!p0 $0x0  }
0x12: {  	s1 =	sld [smem:$0x3F97];
	s0 =	simm.s32 @p0 $0x1  }
0x13: {  	[smem:$0x3FB2] =	sst s0;
	s0 =	simm.s32 @!p1 $0x0  }
0x14: {  	s2 =	sld [smem:$0x3F96];
	s0 =	simm.s32 @p1 $0x1  }
0x15: {  	[smem:$0x3FB3] =	sst s0;
	s0 =	simm.s32 @!p2 $0x0  }
0x16: {  	s3 =	sld [smem:$0x3FDB];
	s0 =	simm.s32 @p2 $0x1  }
0x17: {  	s4 =	simm.s32 $0x1BF5;
	[smem:$0x3FB5] =	sst s0  }
0x18: {  	s0 =	sld [smem:$0x3F98];
	_ =	swait.ge [sflag:s4], $0x0  }
0x19: {  	s7 =	sld [smem:$0x3F99]  }
0x1a: {  	s8 =	sadd.s32 $0xFFFFE003, lr  }
0x1b: {  	s9 =	sadd.s32 $0xFFFFFEF7, lr;
	s5 =	simm.s32 $0xFFFFFFFF;
	p2 =	slt.u32 s8, $0xFFFFF086  }
0x1c: {  	p1 =	slt.u32 s9, $0xF7A;
	s5 =	simm.s32 @!p2 $0x0  }
0x1d: {  	s5 =	simm.s32 @p1 $0x1;
	p0 =	seq.s32 s7, s2  }
0x1e: {  	s7 =	smul.u32 @!p0 $0xF7A, s2;
	p2 =	seq.s32 @!p0 s5, $0x0  }
0x1f: {  	s9 =	smul.u32 $0xF7A, s1;
	s8 =	simm.s32 @!p0 $0x1BF5;
	p2 =	por !p2, p0  }
0x20: {  	[sflag:s8] =	ssyncset.s32 @!p0 $0xFFFFF086;
	s6 =	sadd.s32 @!p0 s3, s7;
	s7 =	simm.s32 @!p0 $0x108  }
0x21: {  	s3 =	sadd.s32 s3, s9;
	s6 =	sadd.s32 @!p0 $0x88, s6;
	s7 =	simm.s32 @p2 $0x1082  }
0x22: {  	[simem:s7], [sflag:s8] =	dma.local @!p0 [hbm:s6], $0xF7A  }
0x23: {  	s9 =	sor.u32 $0xD0000000, s2;
	s6 =	simm.s32 $0x108;
	_ =	swait.ge @!p0 [sflag:s8], $0x0  }
0x24: {  	s3 =	sadd.s32 $0x88, s3;
	s6 =	simm.s32 @!p1 $0x1082;
	[sflag:s4] =	ssyncset.s32 $0xFFFFF086  }
0x25: {  	[simem:s6], [sflag:s4] =	dma.local [hbm:s3], $0xF7A  }
0x26: {  	[smem:$0x3F99] =	sst s1;
	(tag) =	ssettag s2;
	_ =	strace s9  }
0x27: {  	s1 =	sld [smem:$0x3FA9]  }
0x28: {  	s2 =	sld [smem:$0x3FAA]  }
0x29: {  	s4 =	sld [smem:$0x3FAC]  }
0x2a: {  	p0 =	seq.s32 s5, $0x0;
	s5 =	sld [smem:$0x3FAD]  }
0x2b: {  	s6 =	sld [smem:$0x3FAE]  }
0x2c: {  	s7 =	sld [smem:$0x3FAF]  }
0x2d: {  	s3 =	simm.s32 $0x108;
	s8 =	sld [smem:$0x3FB0]  }
0x2e: {  	s3 =	simm.s32 @!p0 $0x1082;
	s9 =	sld [smem:$0x3FB1]  }
0x2f: {  	lr =	sadd.s32 s0, s3;
	s0 =	sld [smem:$0x3FA8]  }
0x30: {  	s3 =	sld [smem:$0x3FAB]  }
0x31: {  	[smem:$0x3FB4] =	sst s10  }
0x32: {  	s10 =	sld [smem:$0x3FB2];
	_ =	sdelay $0x3  }
0x33: {  	p0 =	seq.s32 s10, $0x1;
	s10 =	sld [smem:$0x3FB4];
	_ =	sdelay $0x3  }
0x34: {  	[smem:$0x3FB4] =	sst s10  }
0x35: {  	s10 =	sld [smem:$0x3FB3];
	_ =	sdelay $0x3  }
0x36: {  	p1 =	seq.s32 s10, $0x1;
	s10 =	sld [smem:$0x3FB4];
	_ =	sdelay $0x3  }
0x37: {  	[smem:$0x3FB4] =	sst s10  }
0x38: {  	s10 =	sld [smem:$0x3FB5]  }
0x39: {  	_ = 	snop;
	(pc) =	sbr.ind lr, $3  }
0x3a: {  	_ = 	snop  }
0x3b: {  	_ = 	snop  }
0x3c: {  	p2 =	seq.s32 s10, $0x1;
	s10 =	sld [smem:$0x3FB4]  }
0x3d: {  	_ =	shalt  }
0x3e: {  	_ =	shalt  }
0x3f: {  	_ =	shalt  }
0x40: {  	_ =	shalt  }
0x41: {  	_ =	shalt  }
0x42: {  	_ =	shalt  }
0x43: {  	_ =	shalt  }
0x44: {  	_ =	shalt  }
0x45: {  	_ =	shalt  }
0x46: {  	_ =	shalt  }
0x47: {  	_ =	shalt  }
0x48: {  	_ =	shalt  }
0x49: {  	_ =	shalt  }
0x4a: {  	_ =	shalt  }
0x4b: {  	_ =	shalt  }
0x4c: {  	_ =	shalt  }
0x4d: {  	_ =	shalt  }
0x4e: {  	_ =	shalt  }
0x4f: {  	_ =	shalt  }
0x50: {  	_ =	shalt  }
0x51: {  	_ =	shalt  }
0x52: {  	_ =	shalt  }
0x53: {  	_ =	shalt  }
0x54: {  	_ =	shalt  }
0x55: {  	_ =	shalt  }
0x56: {  	_ =	shalt  }
0x57: {  	_ =	shalt  }
0x58: {  	_ =	shalt  }
0x59: {  	_ =	shalt  }
0x5a: {  	_ =	shalt  }
0x5b: {  	_ =	shalt  }
0x5c: {  	_ =	shalt  }
0x5d: {  	_ =	shalt  }
0x5e: {  	_ =	shalt  }
0x5f: {  	_ =	shalt  }
0x60: {  	_ =	shalt  }
0x61: {  	_ =	shalt  }
0x62: {  	_ =	shalt  }
0x63: {  	_ =	shalt  }
0x64: {  	_ =	shalt  }
0x65: {  	_ =	shalt  }
0x66: {  	_ =	shalt  }
0x67: {  	_ =	shalt  }
0x68: {  	_ =	shalt  }
0x69: {  	_ =	shalt  }
0x6a: {  	_ =	shalt  }
0x6b: {  	_ =	shalt  }
0x6c: {  	_ =	shalt  }
0x6d: {  	_ =	shalt  }
0x6e: {  	_ =	shalt  }
0x6f: {  	_ =	shalt  }
0x70: {  	_ =	shalt  }
0x71: {  	_ =	shalt  }
0x72: {  	_ =	shalt  }
0x73: {  	_ =	shalt  }
0x74: {  	_ =	shalt  }
0x75: {  	_ =	shalt  }
0x76: {  	_ =	shalt  }
0x77: {  	_ =	shalt  }
0x78: {  	_ =	shalt  }
0x79: {  	_ =	shalt  }
0x7a: {  	_ =	shalt  }
0x7b: {  	_ =	shalt  }
0x7c: {  	_ =	shalt  }
0x7d: {  	_ =	shalt  }
0x7e: {  	_ =	shalt  }
0x7f: {  	_ =	shalt  }
0x80: {  	_ =	shalt  }
0x81: {  	_ =	shalt  }
0x82: {  	_ =	shalt  }
0x83: {  	_ =	shalt  }
0x84: {  	_ =	shalt  }
0x85: {  	_ =	shalt  }
0x86: {  	_ =	shalt  }
0x87: {  	_ =	shalt  }
.Lfunc_end0:
.L_simem_size_0:
called_computation.1_lowered:
.L_overlay_start_0:
0x88: {  	s2 =	sld [smem:$0x3FD9]  }
0x89: {  	s3 =	sld [smem:$0x3FFE];
	_ =	sdelay $0x1  }
0x8a: {  	s1 =	srdreg.scid  }
0x8b: {  	s0 =	sand.u32 $0x1, s1  }
0x8c: {  	s17 =	sshll.u32 s0, $0xA;
	s2 =	sadd.s32 s3, s2  }
0x8d: {  	s2 =	sadd.s32 s2, s17  }
0x8e: {  	[smem:$0x3FC0] =	sst s2  }
0x8f: {  	_ = 	snop  }
0x90: {  	s2 =	sld [smem:$0x3FD0];
	(tm) =	ssettm $0x1  }
0x91: {  	s18 =	sld [smem:$0x3FFB];
	_ =	sdelay $0x3  }
0x92: {  	_ =	strace s18  }
0x93: {  	s3 =	sld [smem:$0x3FFC];
	_ =	sdelay $0x3  }
0x94: {  	_ =	strace s3  }
0x95: {  	s3 =	sld [smem:$0x3FFD];
	_ =	sdelay $0x3  }
0x96: {  	_ =	strace s3  }
0x97: {  	_ =	strace $0x8FFFFFFF  }
0x98: {  	s19 =	sld [smem:$0x3FDB];
	_ =	sdelay $0x1  }
0x99: {  	s4 =	simm.s32 $_scs_section_size  }
0x9a: {  	s5 =	simm.s32 $_size__tile_overlayer_lowered;
	s6 =	simm.s32 $_tile_overlayer_lowered  }
0x9b: {  	s22 =	simm.s32 $0x1BFF;
	s21 =	sshll.u32 s6, $0x1;
	s3 =	sadd.s32 s4, s19  }
0x9c: {  	s7 =	simm.s32 $0x0;
	s20 =	sshll.u32 s5, $0x1;
	s5 =	sadd.s32 s21, s3  }
0x9d: {  	[timem:s7], [sflag:s22] =	dma.local [hbm:s5], s20  }
0x9e: {  	_ =	swait.ge [sflag:s22], s20  }
0x9f: {  	s4 =	ssub.s32 $0x0, s20;
	[sflag:s22] =	ssyncset.done $0x0  }
0xa0: {  	[sflag:s22] =	ssyncadd.s32 s4;
	_ =	sdelay $0x1  }
0xa1: {  	s23 =	simm.s32 $0x1B8B  }
0xa2: {  	_ =	swait.ge [sflag:s23], $0x1  }
0xa3: {  	[sflag:s23] =	ssyncset.done $0x0  }
0xa4: {  	s25 =	simm.s32 $0x1B8E;
	s24 =	sld [smem:$0x3FFE];
	[sflag:s23] =	ssyncadd.s32 $0xFFFFFFFF  }
0xa5: {  	s26 =	simm.s32 $execute0_lowered;
	[smem:$0x3FD2] =	sst s25  }
0xa6: {  	s5 =	sshll.u32 s26, $0x1;
	_ =	strace $0x80000049;
	[dreg:$0x1] =	wrdreg $0xFFFFFFFF  }
0xa7: {  	s28 =	simm.s32 $_size_execute0_lowered;
	s3 =	sadd.s32 s3, s5;
	[dreg:$0x0] =	wrdreg $0x0  }
0xa8: {  	s5 =	sshll.u32 s28, $0x1;
	[dreg:$0x2] =	wrdreg s3  }
0xa9: {  	[dreg:$0x3] =	wrdreg s5  }
0xaa: {  	[dreg:$0x4] =	wrdreg $0xC0  }
0xab: {  	_ =	task [dreg:s7], $0x5FFFF  }
0xac: {  	[dreg:$0x1] =	wrdreg $0xFFFFFFFF  }
0xad: {  	[dreg:$0x0] =	wrdreg $0x60  }
0xae: {  	[dreg:$0x2] =	wrdreg s24  }
0xaf: {  	[dreg:$0x3] =	wrdreg s2  }
0xb0: {  	[dreg:$0x4] =	wrdreg $0x93000  }
0xb1: {  	[dreg:$0x5] =	wrdreg $0x9  }
0xb2: {  	_ =	task.clear_ibuf [dreg:s7], $0x6FFFF;
	_ =	strace $0x90000049  }
0xb3: {  	s29 =	simm.s32 $0x9;
	_ =	strace $0x8000004B  }
0xb4: {  	_ =	swait.ge [sflag:s29], $0x1  }
0xb5: {  	[sflag:s29] =	ssyncadd.s32 $0xFFFFFFFF  }
0xb6: {  	_ =	strace $0x9000004B  }
0xb7: {  	_ =	sfence  }
0xb8: {  	s30 =	sld [smem:$0x0];
	_ =	sdelay $0x2  }
0xb9: {  	s31 =	sshll.u32 s1, $0xD;
	s1 =	sshrl.u32 s1, $0x2  }
0xba: {  	s3 =	sand.u32 $0x4000, s31;
	s1 =	sadd.s32 s1, s30  }
0xbb: {  	s0 =	sor.u32 s3, s0;
	s1 =	sshll.u32 s1, $0x11  }
0xbc: {  	s0 =	sor.u32 s1, s0  }
0xbd: {  	s0 =	sadd.s32 $0x8F2B, s0  }
0xbe: {  	[sflag:s0] =	ssyncadd.remote.s32 $0x1  }
0xbf: {  	_ =	sfence.sel $0xFFFF  }
0xc0: {  	[dreg:$0x0] =	wrdreg $0xFFFFFFFF;
	(pc) =	sbr.abs _section_cstart, $3  }
0xc1: {  	[dreg:$0x1] =	wrdreg $0xFFFFFFFF  }
0xc2: {  	_ =	task.clear_ibuf [dreg:s7], $0x2FFFF;
	_ =	strace $0x9FFFFFFF  }
0xc3: {  	(tm) =	ssettm $0x7FFFFFFF  }
tec
execute0_lowered:
.L_overlay_start_1:
0x0: {  	(tag) =	ssettag $0x1  }
0x1: {  	s5 =	rddreg [dreg:$0x0]  }
0x2: {  	s0 =	srdreg.scid;
	s6 =	rddreg [dreg:$0x1]  }
0x3: {  	s2 =	rddreg [dreg:$0x2];
	s1 =	stileid.u32  }
0x4: {  	s3 =	simm.s32 $0x0;
	s20 =	simm.s32 $0x5000;
	s21 =	simm.s32 $0x80  }
0x5: {  	s22 =	simm.s32 $0x1;
	s8 =	sand.u32 $0x1, s0;
	s0 =	rddreg [dreg:$0x3]  }
0x6: {  	s23 =	simm.s32 $0x0;
	[smem:$0x7FF] =	sst s3;
	s11 =	smul.u32 $0x50000, s1  }
0x7: {  	s16 =	sadd.s32 $0x34800, s5;
	s12 =	smul.u32 $0x14000, s1;
	s4 =	sshll.u32 s8, $0x4  }
0x8: {  	_ =	strace $0x8000004A;
	s10 =	ssub.s32 $0x2, s8;
	s18 =	smul.u32 $0x140000, s8  }
0x9: {  	s4 =	sor.u32 s1, s4;
	s29 =	sshrl.u32 s10, $0x1;
	s30 =	sshrl.u32 s11, $0x2  }
0xa: {  	s31 =	sadd.s32 $0x4000, s12;
	s14 =	sadd.s32 $0x8000, s12;
	s15 =	sadd.s32 $0xC000, s12  }
0xb: {  	s19 =	sadd.s32 $0x10000, s12;
	s7 =	smul.u32 $0x500, s4;
	s4 =	sadd.s32 $0xC800, s5  }
0xc: {  	s17 =	ssub.s32 s10, s29;
	s8 =	sadd.s32 s31, s2;
	s10 =	sadd.s32 s15, s2  }
0xd: {  	s12 =	sadd.s32 s12, s18;
	s13 =	sadd.s32 s18, s31;
	s11 =	sadd.s32 s19, s2  }
0xe: {  	s15 =	sadd.s32 s18, s15;
	s12 =	sshrl.u32 s12, $0x3;
	s13 =	sshrl.u32 s13, $0x3  }
0xf: {  	s15 =	sshrl.u32 s15, $0x3;
	s17 =	smax.u32 s17, $0x1;
	s9 =	sadd.s32 s7, s5  }
0x10: {  	s5 =	sadd.s32 s6, s7;
	s7 =	sadd.s32 s30, s2;
	s12 =	sadd.s32 s16, s12  }
0x11: {  	s13 =	sadd.s32 s16, s13;
	s15 =	sadd.s32 s16, s15;
	s6 =	sadd.s32 $0x2800, s9  }
0x12: {  	s9 =	sadd.s32 s14, s2;
	s14 =	sadd.s32 s18, s14;
	s18 =	sadd.s32 s18, s19  }
0x13: {  	s19 =	simm.s32 $0x2800;
	s14 =	sshrl.u32 s14, $0x3;
	s18 =	sshrl.u32 s18, $0x3  }
0x14: {  	v0 =	vimm.f32 $0.0e+00;
	v1 =	vimm.f32 $1.000000000e+00;
	s14 =	sadd.s32 s16, s14;
	s16 =	sadd.s32 s16, s18;
	s18 =	simm.s32 $0x2  }
.LBB2_1:
0x15: {  	s24 =	simm.s32 $0x0;
	s25 =	simm.s32 $0x200  }
.LBB2_2:
0x16: {  	p0 =	sne.s32 s25, $0xFE00;
	[tilespmem:s24+$0x5070] =	vst v0  }
0x17: {  	[tilespmem:s24+$0x5000] =	vst v0  }
0x18: {  	[tilespmem:s24+$0x5010] =	vst v0  }
.Ltmp0:
0x19: {  	[tilespmem:s24+$0x5020] =	vst v0;
	(pc) =	sbr.rel @p0 .LBB2_2-.Ltmp0, $4  }
0x1a: {  	[tilespmem:s24+$0x5030] =	vst v0  }
0x1b: {  	[tilespmem:s24+$0x5040] =	vst v0  }
0x1c: {  	[tilespmem:s24+$0x5050] =	vst v0  }
0x1d: {  	[tilespmem:s24+$0x5060] =	vst v0;
	s24 =	sshra.s32 s25, $0x2;
	s25 =	sadd.s32 $0x200, s25  }
0x1e: {  	[tilespmem:s24+$0x5070] =	vst v0  }
0x1f: {  	[tilespmem:s24+$0x5000] =	vst v0  }
0x20: {  	[tilespmem:s24+$0x5010] =	vst v0  }
0x21: {  	[tilespmem:s24+$0x5020] =	vst v0  }
0x22: {  	[tilespmem:s24+$0x5030] =	vst v0  }
0x23: {  	[tilespmem:s24+$0x5040] =	vst v0  }
0x24: {  	[tilespmem:s24+$0x5050] =	vst v0  }
0x25: {  	[tilespmem:s24+$0x5060] =	vst v0  }
0x26: {  	[tilespmem:$0x9000] =	vst v0  }
0x27: {  	[tilespmem:$0x9010] =	vst v0  }
0x28: {  	[tilespmem:$0x9020] =	vst v0  }
0x29: {  	[tilespmem:$0x9030] =	vst v0  }
0x2a: {  	[tilespmem:$0x9040] =	vst v0  }
0x2b: {  	[tilespmem:$0x9050] =	vst v0  }
0x2c: {  	[tilespmem:$0x9060] =	vst v0  }
0x2d: {  	[tilespmem:$0x9070] =	vst v0  }
0x2e: {  	[tilespmem:$0x9080] =	vst v0  }
0x2f: {  	[tilespmem:$0x9090] =	vst v0  }
0x30: {  	[tilespmem:$0x90A0] =	vst v0  }
0x31: {  	[tilespmem:$0x90B0] =	vst v0  }
0x32: {  	[tilespmem:$0x90C0] =	vst v0  }
0x33: {  	[tilespmem:$0x90D0] =	vst v0  }
0x34: {  	[tilespmem:$0x90E0] =	vst v0  }
0x35: {  	[tilespmem:$0x90F0] =	vst v0  }
0x36: {  	[tilespmem:$0x9100] =	vst v0  }
0x37: {  	[tilespmem:$0x9110] =	vst v0  }
0x38: {  	[tilespmem:$0x9120] =	vst v0  }
0x39: {  	[tilespmem:$0x9130] =	vst v0  }
0x3a: {  	[tilespmem:$0x9140] =	vst v0  }
0x3b: {  	[tilespmem:$0x9150] =	vst v0  }
0x3c: {  	[tilespmem:$0x9160] =	vst v0  }
0x3d: {  	[tilespmem:$0x9170] =	vst v0  }
0x3e: {  	[tilespmem:$0x9180] =	vst v0  }
0x3f: {  	[tilespmem:$0x9190] =	vst v0  }
0x40: {  	[tilespmem:$0x91A0] =	vst v0  }
0x41: {  	[tilespmem:$0x91B0] =	vst v0  }
0x42: {  	[tilespmem:$0x91C0] =	vst v0  }
0x43: {  	[tilespmem:$0x91D0] =	vst v0  }
0x44: {  	[tilespmem:$0x91E0] =	vst v0  }
0x45: {  	[tilespmem:$0x91F0] =	vst v0  }
0x46: {  	[tilespmem:$0x9200] =	vst v0  }
0x47: {  	[tilespmem:$0x9210] =	vst v0  }
0x48: {  	[tilespmem:$0x9220] =	vst v0  }
0x49: {  	[tilespmem:$0x9230] =	vst v0  }
0x4a: {  	[tilespmem:$0x9240] =	vst v0  }
0x4b: {  	[tilespmem:$0x9250] =	vst v0  }
0x4c: {  	[tilespmem:$0x9260] =	vst v0  }
0x4d: {  	[tilespmem:$0x9270] =	vst v0  }
0x4e: {  	[tilespmem:$0x9280] =	vst v1  }
0x4f: {  	[tilespmem:$0x9290] =	vst v1  }
0x50: {  	[tilespmem:$0x92A0] =	vst v1  }
0x51: {  	[tilespmem:$0x92B0] =	vst v1  }
0x52: {  	[tilespmem:$0x92C0] =	vst v1  }
0x53: {  	[tilespmem:$0x92D0] =	vst v1  }
0x54: {  	[tilespmem:$0x92E0] =	vst v1  }
0x55: {  	s29 =	simm.s32 $0x0;
	[tilespmem:$0x92F0] =	vst v1  }
0x56: {  	[tilespmem:s29], [sflag:$0x2] =	stream.linear.gather [hbm4b:s5+s29], $0x2780, $0x38;
	[tilespmem:$0x1D300] =	vst v63  }
0x57: {  	_ =	swait.ge [sflag:s18], $0x2780  }
0x58: {  	[sflag:s18] =	ssyncset.done $0x0  }
0x59: {  	[sflag:s18] =	ssyncadd.s32 $0xFFFFD880  }
0x5a: {  	[tilespmem:s19], [sflag:$0x2] =	stream.linear.gather [hbm4b:s6+s29], $0x2780, $0x38;
	[tilespmem:$0x1D300] =	vst v63  }
0x5b: {  	_ =	swait.ge [sflag:s18], $0x2780  }
0x5c: {  	[sflag:s18] =	ssyncset.done $0x0  }
0x5d: {  	[sflag:s18] =	ssyncadd.s32 $0xFFFFD880  }
0x5e: {  	[spmem:s7] =	stream.linear.scatter [tilespmem:s20], [sflag:$0x2], $0x4000, $0x38;
	[tilespmem:$0x1D300] =	vst v63  }
0x5f: {  	_ =	swait.ge [sflag:s18], $0x4000  }
0x60: {  	[sflag:s18] =	ssyncset.done $0x0  }
0x61: {  	[sflag:s18] =	ssyncadd.s32 $0xFFFFC000  }
0x62: {  	[spmem:s8] =	stream.linear.scatter [tilespmem:s20], [sflag:$0x2], $0x4000, $0x38;
	[tilespmem:$0x1D300] =	vst v63  }
0x63: {  	_ =	swait.ge [sflag:s18], $0x4000  }
0x64: {  	[sflag:s18] =	ssyncset.done $0x0  }
0x65: {  	[sflag:s18] =	ssyncadd.s32 $0xFFFFC000  }
0x66: {  	[spmem:s9] =	stream.linear.scatter [tilespmem:s20], [sflag:$0x2], $0x4000, $0x38;
	[tilespmem:$0x1D300] =	vst v63  }
0x67: {  	_ =	swait.ge [sflag:s18], $0x4000  }
0x68: {  	[sflag:s18] =	ssyncset.done $0x0  }
0x69: {  	[sflag:s18] =	ssyncadd.s32 $0xFFFFC000  }
0x6a: {  	[spmem:s10] =	stream.linear.scatter [tilespmem:s20], [sflag:$0x2], $0x4000, $0x38;
	[tilespmem:$0x1D300] =	vst v63  }
0x6b: {  	_ =	swait.ge [sflag:s18], $0x4000  }
0x6c: {  	[sflag:s18] =	ssyncset.done $0x0  }
0x6d: {  	[sflag:s18] =	ssyncadd.s32 $0xFFFFC000  }
0x6e: {  	[spmem:s11] =	stream.linear.scatter [tilespmem:s20], [sflag:$0x2], $0x4000, $0x38;
	[tilespmem:$0x1D300] =	vst v63  }
0x6f: {  	_ =	swait.ge [sflag:s18], $0x4000  }
0x70: {  	[sflag:s18] =	ssyncset.done $0x0  }
0x71: {  	[sflag:s18] =	ssyncadd.s32 $0xFFFFC000  }
0x72: {  	s30 =	simm.s32 $0x0;
	[bflag:$0x0] =	sbarrier.arrive $0xFFFF  }
0x73: {  	[tilespmem:s20], [sflag:$0x1] =	stream.indirect.gather [hbm4b:s4+s21], $0x80, s30, s21, $0xb8;
	[tilespmem:$0x1D300] =	vst v63  }
0x74: {  	_ =	swait.ge [sflag:s22], $0x4000  }
0x75: {  	[sflag:s22] =	ssyncset.done $0x0  }
0x76: {  	s31 =	simm.s32 $0x2800;
	[sflag:s22] =	ssyncadd.s32 $0xFFFFC000  }
0x77: {  	[spmem:s2] =	stream.indirect.scatter.add.f32 [tilespmem:s20], [sflag:$0x2], $0x80, s31, s21, $0xb8;
	[tilespmem:$0x1D300] =	vst v63  }
0x78: {  	_ =	swait.ge [sflag:s18], $0x4000  }
0x79: {  	s24 =	simm.s32 $0x200;
	s25 =	simm.s32 $0x400;
	[sflag:s18] =	ssyncset.done $0x0  }
.LBB2_4:
0x7a: {  	s26 =	sshra.s32 s24, $0x2  }
0x7b: {  	[sflag:s18] =	ssyncadd.s32 $0xFFFFC000;
	s24 =	smov.u32 s25;
	s28 =	sadd.s32 $0x200, s25  }
0x7c: {  	[tilespmem:s20], [sflag:$0x1] =	stream.indirect.gather [hbm4b:s4+s21], $0x80, s26, s21, $0xb8;
	[tilespmem:$0x1D300] =	vst v63  }
0x7d: {  	p0 =	sne.s32 s25, $0x9C00;
	_ =	swait.ge [sflag:s22], $0x4000  }
.Ltmp1:
0x7e: {  	[sflag:s22] =	ssyncset.done $0x0;
	(pc) =	sbr.rel @p0 .LBB2_4-.Ltmp1, $4  }
0x7f: {  	s25 =	sadd.s32 $0x2800, s26;
	[sflag:s22] =	ssyncadd.s32 $0xFFFFC000  }
0x80: {  	[spmem:s2] =	stream.indirect.scatter.add.f32 [tilespmem:s20], [sflag:$0x2], $0x80, s25, s21, $0xb8;
	[tilespmem:$0x1D300] =	vst v63  }
0x81: {  	_ =	swait.ge [sflag:s18], $0x4000  }
0x82: {  	s25 =	smov.u32 s28;
	[sflag:s18] =	ssyncset.done $0x0  }
0x83: {  	s24 =	sshra.s32 s24, $0x2;
	[sflag:s18] =	ssyncadd.s32 $0xFFFFC000  }
0x84: {  	[tilespmem:s20], [sflag:$0x1] =	stream.indirect.gather [hbm4b:s4+s21], $0x80, s24, s21, $0xb8;
	[tilespmem:$0x1D300] =	vst v63  }
0x85: {  	_ =	swait.ge [sflag:s22], $0x4000  }
0x86: {  	[sflag:s22] =	ssyncset.done $0x0  }
0x87: {  	s24 =	sadd.s32 $0x2800, s24;
	[sflag:s22] =	ssyncadd.s32 $0xFFFFC000  }
0x88: {  	[spmem:s2] =	stream.indirect.scatter.add.f32 [tilespmem:s20], [sflag:$0x2], $0x80, s24, s21, $0xb8;
	[tilespmem:$0x1D300] =	vst v63  }
0x89: {  	_ =	swait.ge [sflag:s18], $0x4000  }
0x8a: {  	[sflag:s18] =	ssyncset.done $0x0  }
0x8b: {  	[sflag:s18] =	ssyncadd.s32 $0xFFFFC000  }
0x8c: {  	[bflag:$0x0] =	sbarrier.arrive $0xFFFF  }
0x8d: {  	[tilespmem:s20], [sflag:$0x2] =	stream.linear.gather [spmem:s7], $0x4000, $0x38;
	[tilespmem:$0x1D300] =	vst v63  }
0x8e: {  	_ =	swait.ge [sflag:s18], $0x4000  }
0x8f: {  	[sflag:s18] =	ssyncset.done $0x0  }
0x90: {  	[sflag:s18] =	ssyncadd.s32 $0xFFFFC000  }
0x91: {  	[hbm4b:s12+s3] =	stream.linear.scatter [tilespmem:s20], [sflag:$0x2], $0x4000, $0x38;
	[tilespmem:$0x1D300] =	vst v63  }
0x92: {  	_ =	swait.ge [sflag:s18], $0x4000  }
0x93: {  	[sflag:s18] =	ssyncset.done $0x0  }
0x94: {  	[sflag:s18] =	ssyncadd.s32 $0xFFFFC000  }
0x95: {  	[tilespmem:s20], [sflag:$0x2] =	stream.linear.gather [spmem:s8], $0x4000, $0x38;
	[tilespmem:$0x1D300] =	vst v63  }
0x96: {  	_ =	swait.ge [sflag:s18], $0x4000  }
0x97: {  	[sflag:s18] =	ssyncset.done $0x0  }
0x98: {  	[sflag:s18] =	ssyncadd.s32 $0xFFFFC000  }
0x99: {  	[hbm4b:s13+s3] =	stream.linear.scatter [tilespmem:s20], [sflag:$0x2], $0x4000, $0x38;
	[tilespmem:$0x1D300] =	vst v63  }
0x9a: {  	_ =	swait.ge [sflag:s18], $0x4000  }
0x9b: {  	[sflag:s18] =	ssyncset.done $0x0  }
0x9c: {  	[sflag:s18] =	ssyncadd.s32 $0xFFFFC000  }
0x9d: {  	[tilespmem:s20], [sflag:$0x2] =	stream.linear.gather [spmem:s9], $0x4000, $0x38;
	[tilespmem:$0x1D300] =	vst v63  }
0x9e: {  	_ =	swait.ge [sflag:s18], $0x4000  }
0x9f: {  	[sflag:s18] =	ssyncset.done $0x0  }
0xa0: {  	[sflag:s18] =	ssyncadd.s32 $0xFFFFC000  }
0xa1: {  	[hbm4b:s14+s3] =	stream.linear.scatter [tilespmem:s20], [sflag:$0x2], $0x4000, $0x38;
	[tilespmem:$0x1D300] =	vst v63  }
0xa2: {  	_ =	swait.ge [sflag:s18], $0x4000  }
0xa3: {  	[sflag:s18] =	ssyncset.done $0x0  }
0xa4: {  	[sflag:s18] =	ssyncadd.s32 $0xFFFFC000  }
0xa5: {  	[tilespmem:s20], [sflag:$0x2] =	stream.linear.gather [spmem:s10], $0x4000, $0x38;
	[tilespmem:$0x1D300] =	vst v63  }
0xa6: {  	_ =	swait.ge [sflag:s18], $0x4000  }
0xa7: {  	[sflag:s18] =	ssyncset.done $0x0  }
0xa8: {  	[sflag:s18] =	ssyncadd.s32 $0xFFFFC000  }
0xa9: {  	[hbm4b:s15+s3] =	stream.linear.scatter [tilespmem:s20], [sflag:$0x2], $0x4000, $0x38;
	[tilespmem:$0x1D300] =	vst v63  }
0xaa: {  	_ =	swait.ge [sflag:s18], $0x4000  }
0xab: {  	[sflag:s18] =	ssyncset.done $0x0  }
0xac: {  	[sflag:s18] =	ssyncadd.s32 $0xFFFFC000  }
0xad: {  	[tilespmem:s20], [sflag:$0x2] =	stream.linear.gather [spmem:s11], $0x4000, $0x38;
	[tilespmem:$0x1D300] =	vst v63  }
0xae: {  	s23 =	sadd.s32 $0x1, s23;
	_ =	swait.ge [sflag:s18], $0x4000  }
0xaf: {  	p0 =	sne.s32 s23, s17;
	[sflag:s18] =	ssyncset.done $0x0  }
.Ltmp2:
0xb0: {  	[sflag:s18] =	ssyncadd.s32 $0xFFFFC000;
	(pc) =	sbr.rel @p0 .LBB2_1-.Ltmp2, $4  }
0xb1: {  	[hbm4b:s16+s3] =	stream.linear.scatter [tilespmem:s20], [sflag:$0x2], $0x4000, $0x38;
	[tilespmem:$0x1D300] =	vst v63  }
0xb2: {  	_ =	swait.ge [sflag:s18], $0x4000  }
0xb3: {  	[sflag:s18] =	ssyncset.done $0x0  }
0xb4: {  	[sflag:s18] =	ssyncadd.s32 $0xFFFFC000  }
0xb5: {  	_ =	sfence.sel $0x180000  }
0xb6: {  	[bflag:$0x0] =	sbarrier.arrive $0xFFFF  }
0xb7: {  	p0 =	sne.s32 s1, $0x0;
	_ =	strace $0x9000004A  }
0xb8: {  	s0 =	sadd.s32 @!p0 $0x100000, s0;
	[bflag:$0x2] =	sbarrier.arrive $0xFFFF  }
0xb9: {  	[sflag:s0] =	ssyncadd.tile.s32 @!p0 $0x1;
	_ =	shalt  }
.Lfunc_end2:
_tile_overlayer_lowered:
.L_overlay_start_2:
0xba: {  	(tag) =	ssettag $0x2  }
0xbb: {  	s0 =	rddreg [dreg:$0x0];
	s2 =	stileid.u32  }
0xbc: {  	s1 =	rddreg [dreg:$0x1];
	p0 =	sne.s32 s2, $0x0  }
0xbd: {  	s3 =	rddreg [dreg:$0x2];
	[bflag:$0x3] =	sbarrier.arrive $0xFFFF;
	s2 =	simm.s32 @!p0 $0x1C02  }
0xbe: {  	[timem:s3], [sflag:s2] =	dma.local @!p0 [hbm:s0], s1  }
0xbf: {  	s0 =	simm.s32 @!p0 $0x2  }
0xc0: {  	_ =	swait.ge @!p0 [sflag:s0], s1  }
0xc1: {  	s1 =	ssub.s32 @!p0 $0x0, s1;
	[sflag:s0] =	ssyncset.done @!p0 $0x0  }
0xc2: {  	[sflag:s0] =	ssyncadd.s32 @!p0 s1  }
0xc3: {  	[bflag:$0x3] =	sbarrier.arrive $0xFFFF  }
0xc4: {  	_ =	shalt  }

// kernel: kernel.7.cloned.1.call-start
scs
__scs_entry_jumppad:
0x0: {  	(pc) =	sbr.rel $0x88, $3  }
0x1: {  	(tag) =	ssettag $0x0;
	lr =	simm.s32 $0x1  }
0x2: {  	[smem:$0x3F99] =	sst lr;
	_ =	strace $0xD0000000  }
0x3: {  	_ = 	snop  }
0x4: {  	_ = 	snop  }
0x5: {  	_ = 	snop  }
0x6: {  	_ = 	snop  }
0x7: {  	_ = 	snop  }
__scs_overlays_trampoline_lowered:
0x8: {  	[smem:$0x3FA8] =	sst s0  }
0x9: {  	[smem:$0x3FA9] =	sst s1  }
0xa: {  	[smem:$0x3FAA] =	sst s2  }
0xb: {  	[smem:$0x3FAB] =	sst s3  }
0xc: {  	[smem:$0x3FAC] =	sst s4  }
0xd: {  	[smem:$0x3FAD] =	sst s5  }
0xe: {  	[smem:$0x3FAE] =	sst s6  }
0xf: {  	[smem:$0x3FAF] =	sst s7  }
0x10: {  	[smem:$0x3FB0] =	sst s8  }
0x11: {  	[smem:$0x3FB1] =	sst s9;
	s0 =	simm.s32 @!p0 $0x0  }
0x12: {  	s1 =	sld [smem:$0x3F97];
	s0 =	simm.s32 @p0 $0x1  }
0x13: {  	[smem:$0x3FB2] =	sst s0;
	s0 =	simm.s32 @!p1 $0x0  }
0x14: {  	s2 =	sld [smem:$0x3F96];
	s0 =	simm.s32 @p1 $0x1  }
0x15: {  	[smem:$0x3FB3] =	sst s0;
	s0 =	simm.s32 @!p2 $0x0  }
0x16: {  	s3 =	sld [smem:$0x3FDB];
	s0 =	simm.s32 @p2 $0x1  }
0x17: {  	s4 =	simm.s32 $0x1BF5;
	[smem:$0x3FB5] =	sst s0  }
0x18: {  	s0 =	sld [smem:$0x3F98];
	_ =	swait.ge [sflag:s4], $0x0  }
0x19: {  	s7 =	sld [smem:$0x3F99]  }
0x1a: {  	s8 =	sadd.s32 $0xFFFFE003, lr  }
0x1b: {  	s9 =	sadd.s32 $0xFFFFFEF7, lr;
	s5 =	simm.s32 $0xFFFFFFFF;
	p2 =	slt.u32 s8, $0xFFFFF086  }
0x1c: {  	p1 =	slt.u32 s9, $0xF7A;
	s5 =	simm.s32 @!p2 $0x0  }
0x1d: {  	s5 =	simm.s32 @p1 $0x1;
	p0 =	seq.s32 s7, s2  }
0x1e: {  	s7 =	smul.u32 @!p0 $0xF7A, s2;
	p2 =	seq.s32 @!p0 s5, $0x0  }
0x1f: {  	s9 =	smul.u32 $0xF7A, s1;
	s8 =	simm.s32 @!p0 $0x1BF5;
	p2 =	por !p2, p0  }
0x20: {  	[sflag:s8] =	ssyncset.s32 @!p0 $0xFFFFF086;
	s6 =	sadd.s32 @!p0 s3, s7;
	s7 =	simm.s32 @!p0 $0x108  }
0x21: {  	s3 =	sadd.s32 s3, s9;
	s6 =	sadd.s32 @!p0 $0x88, s6;
	s7 =	simm.s32 @p2 $0x1082  }
0x22: {  	[simem:s7], [sflag:s8] =	dma.local @!p0 [hbm:s6], $0xF7A  }
0x23: {  	s9 =	sor.u32 $0xD0000000, s2;
	s6 =	simm.s32 $0x108;
	_ =	swait.ge @!p0 [sflag:s8], $0x0  }
0x24: {  	s3 =	sadd.s32 $0x88, s3;
	s6 =	simm.s32 @!p1 $0x1082;
	[sflag:s4] =	ssyncset.s32 $0xFFFFF086  }
0x25: {  	[simem:s6], [sflag:s4] =	dma.local [hbm:s3], $0xF7A  }
0x26: {  	[smem:$0x3F99] =	sst s1;
	(tag) =	ssettag s2;
	_ =	strace s9  }
0x27: {  	s1 =	sld [smem:$0x3FA9]  }
0x28: {  	s2 =	sld [smem:$0x3FAA]  }
0x29: {  	s4 =	sld [smem:$0x3FAC]  }
0x2a: {  	p0 =	seq.s32 s5, $0x0;
	s5 =	sld [smem:$0x3FAD]  }
0x2b: {  	s6 =	sld [smem:$0x3FAE]  }
0x2c: {  	s7 =	sld [smem:$0x3FAF]  }
0x2d: {  	s3 =	simm.s32 $0x108;
	s8 =	sld [smem:$0x3FB0]  }
0x2e: {  	s3 =	simm.s32 @!p0 $0x1082;
	s9 =	sld [smem:$0x3FB1]  }
0x2f: {  	lr =	sadd.s32 s0, s3;
	s0 =	sld [smem:$0x3FA8]  }
0x30: {  	s3 =	sld [smem:$0x3FAB]  }
0x31: {  	[smem:$0x3FB4] =	sst s10  }
0x32: {  	s10 =	sld [smem:$0x3FB2];
	_ =	sdelay $0x3  }
0x33: {  	p0 =	seq.s32 s10, $0x1;
	s10 =	sld [smem:$0x3FB4];
	_ =	sdelay $0x3  }
0x34: {  	[smem:$0x3FB4] =	sst s10  }
0x35: {  	s10 =	sld [smem:$0x3FB3];
	_ =	sdelay $0x3  }
0x36: {  	p1 =	seq.s32 s10, $0x1;
	s10 =	sld [smem:$0x3FB4];
	_ =	sdelay $0x3  }
0x37: {  	[smem:$0x3FB4] =	sst s10  }
0x38: {  	s10 =	sld [smem:$0x3FB5]  }
0x39: {  	_ = 	snop;
	(pc) =	sbr.ind lr, $3  }
0x3a: {  	_ = 	snop  }
0x3b: {  	_ = 	snop  }
0x3c: {  	p2 =	seq.s32 s10, $0x1;
	s10 =	sld [smem:$0x3FB4]  }
0x3d: {  	_ =	shalt  }
0x3e: {  	_ =	shalt  }
0x3f: {  	_ =	shalt  }
0x40: {  	_ =	shalt  }
0x41: {  	_ =	shalt  }
0x42: {  	_ =	shalt  }
0x43: {  	_ =	shalt  }
0x44: {  	_ =	shalt  }
0x45: {  	_ =	shalt  }
0x46: {  	_ =	shalt  }
0x47: {  	_ =	shalt  }
0x48: {  	_ =	shalt  }
0x49: {  	_ =	shalt  }
0x4a: {  	_ =	shalt  }
0x4b: {  	_ =	shalt  }
0x4c: {  	_ =	shalt  }
0x4d: {  	_ =	shalt  }
0x4e: {  	_ =	shalt  }
0x4f: {  	_ =	shalt  }
0x50: {  	_ =	shalt  }
0x51: {  	_ =	shalt  }
0x52: {  	_ =	shalt  }
0x53: {  	_ =	shalt  }
0x54: {  	_ =	shalt  }
0x55: {  	_ =	shalt  }
0x56: {  	_ =	shalt  }
0x57: {  	_ =	shalt  }
0x58: {  	_ =	shalt  }
0x59: {  	_ =	shalt  }
0x5a: {  	_ =	shalt  }
0x5b: {  	_ =	shalt  }
0x5c: {  	_ =	shalt  }
0x5d: {  	_ =	shalt  }
0x5e: {  	_ =	shalt  }
0x5f: {  	_ =	shalt  }
0x60: {  	_ =	shalt  }
0x61: {  	_ =	shalt  }
0x62: {  	_ =	shalt  }
0x63: {  	_ =	shalt  }
0x64: {  	_ =	shalt  }
0x65: {  	_ =	shalt  }
0x66: {  	_ =	shalt  }
0x67: {  	_ =	shalt  }
0x68: {  	_ =	shalt  }
0x69: {  	_ =	shalt  }
0x6a: {  	_ =	shalt  }
0x6b: {  	_ =	shalt  }
0x6c: {  	_ =	shalt  }
0x6d: {  	_ =	shalt  }
0x6e: {  	_ =	shalt  }
0x6f: {  	_ =	shalt  }
0x70: {  	_ =	shalt  }
0x71: {  	_ =	shalt  }
0x72: {  	_ =	shalt  }
0x73: {  	_ =	shalt  }
0x74: {  	_ =	shalt  }
0x75: {  	_ =	shalt  }
0x76: {  	_ =	shalt  }
0x77: {  	_ =	shalt  }
0x78: {  	_ =	shalt  }
0x79: {  	_ =	shalt  }
0x7a: {  	_ =	shalt  }
0x7b: {  	_ =	shalt  }
0x7c: {  	_ =	shalt  }
0x7d: {  	_ =	shalt  }
0x7e: {  	_ =	shalt  }
0x7f: {  	_ =	shalt  }
0x80: {  	_ =	shalt  }
0x81: {  	_ =	shalt  }
0x82: {  	_ =	shalt  }
0x83: {  	_ =	shalt  }
0x84: {  	_ =	shalt  }
0x85: {  	_ =	shalt  }
0x86: {  	_ =	shalt  }
0x87: {  	_ =	shalt  }
.Lfunc_end0:
.L_simem_size_0:
called_computation_lowered:
.L_overlay_start_0:
0x88: {  	s2 =	sld [smem:$0x3FD9]  }
0x89: {  	s3 =	sld [smem:$0x3FFE];
	_ =	sdelay $0x1  }
0x8a: {  	s1 =	srdreg.scid  }
0x8b: {  	s0 =	sand.u32 $0x1, s1  }
0x8c: {  	s17 =	sshll.u32 s0, $0xA;
	s2 =	sadd.s32 s3, s2  }
0x8d: {  	s2 =	sadd.s32 s2, s17  }
0x8e: {  	[smem:$0x3FC0] =	sst s2  }
0x8f: {  	_ = 	snop  }
0x90: {  	s2 =	sld [smem:$0x3FD0];
	(tm) =	ssettm $0x1  }
0x91: {  	s18 =	sld [smem:$0x3FFB];
	_ =	sdelay $0x3  }
0x92: {  	_ =	strace s18  }
0x93: {  	s3 =	sld [smem:$0x3FFC];
	_ =	sdelay $0x3  }
0x94: {  	_ =	strace s3  }
0x95: {  	s3 =	sld [smem:$0x3FFD];
	_ =	sdelay $0x3  }
0x96: {  	_ =	strace s3  }
0x97: {  	_ =	strace $0x8FFFFFFF  }
0x98: {  	s19 =	sld [smem:$0x3FDB];
	_ =	sdelay $0x1  }
0x99: {  	s4 =	simm.s32 $_scs_section_size  }
0x9a: {  	s5 =	simm.s32 $_size__tile_overlayer_lowered;
	s6 =	simm.s32 $_tile_overlayer_lowered  }
0x9b: {  	s22 =	simm.s32 $0x1BFF;
	s21 =	sshll.u32 s6, $0x1;
	s3 =	sadd.s32 s4, s19  }
0x9c: {  	s7 =	simm.s32 $0x0;
	s20 =	sshll.u32 s5, $0x1;
	s5 =	sadd.s32 s21, s3  }
0x9d: {  	[timem:s7], [sflag:s22] =	dma.local [hbm:s5], s20  }
0x9e: {  	_ =	swait.ge [sflag:s22], s20  }
0x9f: {  	s4 =	ssub.s32 $0x0, s20;
	[sflag:s22] =	ssyncset.done $0x0  }
0xa0: {  	[sflag:s22] =	ssyncadd.s32 s4;
	_ =	sdelay $0x1  }
0xa1: {  	s23 =	simm.s32 $0x1B8B  }
0xa2: {  	_ =	swait.ge [sflag:s23], $0x1  }
0xa3: {  	[sflag:s23] =	ssyncset.done $0x0  }
0xa4: {  	s25 =	simm.s32 $0x1B8E;
	s24 =	sld [smem:$0x3FFE];
	[sflag:s23] =	ssyncadd.s32 $0xFFFFFFFF  }
0xa5: {  	s26 =	simm.s32 $execute0_lowered;
	[smem:$0x3FD2] =	sst s25  }
0xa6: {  	s5 =	sshll.u32 s26, $0x1;
	_ =	strace $0x80000046;
	[dreg:$0x1] =	wrdreg $0xFFFFFFFF  }
0xa7: {  	s28 =	simm.s32 $_size_execute0_lowered;
	s3 =	sadd.s32 s3, s5;
	[dreg:$0x0] =	wrdreg $0x0  }
0xa8: {  	s5 =	sshll.u32 s28, $0x1;
	[dreg:$0x2] =	wrdreg s3  }
0xa9: {  	[dreg:$0x3] =	wrdreg s5  }
0xaa: {  	[dreg:$0x4] =	wrdreg $0xC0  }
0xab: {  	_ =	task [dreg:s7], $0x5FFFF  }
0xac: {  	[dreg:$0x1] =	wrdreg $0xFFFFFFFF  }
0xad: {  	[dreg:$0x0] =	wrdreg $0x60  }
0xae: {  	[dreg:$0x2] =	wrdreg s24  }
0xaf: {  	[dreg:$0x3] =	wrdreg s2  }
0xb0: {  	[dreg:$0x4] =	wrdreg $0x93000  }
0xb1: {  	[dreg:$0x5] =	wrdreg $0x1D3000  }
0xb2: {  	[dreg:$0x6] =	wrdreg $0x9  }
0xb3: {  	_ =	task.clear_ibuf [dreg:s7], $0x7FFFF;
	_ =	strace $0x90000046  }
0xb4: {  	s29 =	simm.s32 $0x9;
	_ =	strace $0x80000048  }
0xb5: {  	_ =	swait.ge [sflag:s29], $0x1  }
0xb6: {  	[sflag:s29] =	ssyncadd.s32 $0xFFFFFFFF  }
0xb7: {  	_ =	strace $0x90000048  }
0xb8: {  	_ =	sfence  }
0xb9: {  	s30 =	sld [smem:$0x0];
	_ =	sdelay $0x2  }
0xba: {  	s31 =	sshll.u32 s1, $0xD;
	s1 =	sshrl.u32 s1, $0x2  }
0xbb: {  	s3 =	sand.u32 $0x4000, s31;
	s1 =	sadd.s32 s1, s30  }
0xbc: {  	s0 =	sor.u32 s3, s0;
	s1 =	sshll.u32 s1, $0x11  }
0xbd: {  	s0 =	sor.u32 s1, s0  }
0xbe: {  	s0 =	sadd.s32 $0x8F2B, s0  }
0xbf: {  	[sflag:s0] =	ssyncadd.remote.s32 $0x1  }
0xc0: {  	_ =	sfence.sel $0xFFFF  }
0xc1: {  	[dreg:$0x0] =	wrdreg $0xFFFFFFFF;
	(pc) =	sbr.abs _section_cstart, $3  }
0xc2: {  	[dreg:$0x1] =	wrdreg $0xFFFFFFFF  }
0xc3: {  	_ =	task.clear_ibuf [dreg:s7], $0x2FFFF;
	_ =	strace $0x9FFFFFFF  }
0xc4: {  	(tm) =	ssettm $0x7FFFFFFF  }
0xc5: {  	_ =	shalt  }
tec
execute0_lowered:
.L_overlay_start_1:
0x0: {  	(tag) =	ssettag $0x1  }
0x1: {  	s0 =	rddreg [dreg:$0x0]  }
0x2: {  	s6 =	rddreg [dreg:$0x1]  }
0x3: {  	s1 =	srdreg.scid;
	s2 =	rddreg [dreg:$0x2]  }
0x4: {  	s3 =	rddreg [dreg:$0x3];
	s22 =	stileid.u32;
	s4 =	simm.s32 $0x0  }
0x5: {  	s28 =	simm.s32 $0x9280;
	s29 =	simm.s32 $0x100;
	s8 =	smul.u32 $0x500, s22  }
0x6: {  	s30 =	simm.s32 $0x0;
	s11 =	sand.u32 $0x1, s1;
	s13 =	smul.u32 $0x50000, s22  }
0x7: {  	[smem:$0x7FF] =	sst s4;
	s18 =	sadd.s32 $0x34800, s0;
	s14 =	smul.u32 $0x14000, s22  }
0x8: {  	s15 =	smul.u32 $0xA00, s22;
	s5 =	sshll.u32 s11, $0x4;
	_ =	strace $0x80000047  }
0x9: {  	s10 =	sshll.u32 s11, $0x7;
	s23 =	ssub.s32 $0x2, s11;
	s17 =	smul.u32 $0x140000, s11  }
0xa: {  	s5 =	sor.u32 s22, s5;
	s8 =	sor.u32 s10, s8;
	s12 =	sshrl.u32 s23, $0x1  }
0xb: {  	s24 =	sshrl.u32 s13, $0x2;
	s25 =	sadd.s32 $0x4000, s14;
	s16 =	sadd.s32 $0x8000, s14  }
0xc: {  	s19 =	sadd.s32 $0xC000, s14;
	s21 =	sadd.s32 $0x10000, s14;
	s15 =	sshrl.u32 s15, $0x2  }
0xd: {  	s7 =	smul.u32 $0x500, s5;
	s5 =	sadd.s32 $0xC800, s0;
	s8 =	sshrl.u32 s8, $0x3  }
0xe: {  	s20 =	ssub.s32 s23, s12;
	s10 =	sadd.s32 s16, s2;
	s11 =	sadd.s32 s19, s2  }
0xf: {  	s12 =	sadd.s32 s21, s2;
	s14 =	sadd.s32 s14, s17;
	s22 =	sadd.s32 s17, s25  }
0x10: {  	s13 =	sadd.s32 s15, s3;
	s16 =	sadd.s32 s17, s16;
	s19 =	sadd.s32 s17, s19  }
0x11: {  	s21 =	sadd.s32 s17, s21;
	s23 =	simm.s32 $0x5000;
	s14 =	sshrl.u32 s14, $0x3  }
0x12: {  	s26 =	sshrl.u32 s22, $0x3;
	s16 =	sshrl.u32 s16, $0x3;
	s19 =	sshrl.u32 s19, $0x3  }
0x13: {  	s31 =	sshrl.u32 s21, $0x3;
	s20 =	smax.u32 s20, $0x1;
	s21 =	simm.s32 $0x2  }
0x14: {  	s9 =	sadd.s32 s7, s0;
	s0 =	sadd.s32 s8, s0;
	s6 =	sadd.s32 s6, s7  }
0x15: {  	s8 =	sadd.s32 s24, s2;
	s14 =	sadd.s32 s18, s14;
	s15 =	sadd.s32 s18, s26  }
0x16: {  	s16 =	sadd.s32 s18, s16;
	s17 =	sadd.s32 s18, s19;
	s18 =	sadd.s32 s18, s31  }
0x17: {  	s24 =	simm.s32 $0x9000;
	s26 =	simm.s32 $0x1;
	s7 =	sadd.s32 $0x2800, s9  }
0x18: {  	v0 =	vimm.f32 $0.0e+00;
	v1 =	vimm.f32 $1.000000000e+00;
	s9 =	sadd.s32 s25, s2;
	s19 =	sadd.s32 $0x84800, s0;
	s25 =	simm.s32 $0x80  }
.LBB2_1:
0x19: {  	s31 =	simm.s32 $0x0;
	s0 =	simm.s32 $0x200  }
.LBB2_2:
0x1a: {  	p0 =	sne.s32 s0, $0xFE00;
	[tilespmem:s31+$0x5070] =	vst v0  }
0x1b: {  	[tilespmem:s31+$0x5000] =	vst v0  }
0x1c: {  	[tilespmem:s31+$0x5010] =	vst v0  }
.Ltmp0:
0x1d: {  	[tilespmem:s31+$0x5020] =	vst v0;
	(pc) =	sbr.rel @p0 .LBB2_2-.Ltmp0, $4  }
0x1e: {  	[tilespmem:s31+$0x5030] =	vst v0  }
0x1f: {  	[tilespmem:s31+$0x5040] =	vst v0  }
0x20: {  	[tilespmem:s31+$0x5050] =	vst v0  }
0x21: {  	[tilespmem:s31+$0x5060] =	vst v0;
	s31 =	sshra.s32 s0, $0x2;
	s0 =	sadd.s32 $0x200, s0  }
0x22: {  	[tilespmem:s31+$0x5070] =	vst v0  }
0x23: {  	[tilespmem:s31+$0x5000] =	vst v0  }
0x24: {  	[tilespmem:s31+$0x5010] =	vst v0  }
0x25: {  	[tilespmem:s31+$0x5020] =	vst v0  }
0x26: {  	[tilespmem:s31+$0x5030] =	vst v0  }
0x27: {  	[tilespmem:s31+$0x5040] =	vst v0  }
0x28: {  	[tilespmem:s31+$0x5050] =	vst v0  }
0x29: {  	[tilespmem:s31+$0x5060] =	vst v0  }
0x2a: {  	[tilespmem:$0x9000] =	vst v0  }
0x2b: {  	[tilespmem:$0x9010] =	vst v0  }
0x2c: {  	[tilespmem:$0x9020] =	vst v0  }
0x2d: {  	[tilespmem:$0x9030] =	vst v0  }
0x2e: {  	[tilespmem:$0x9040] =	vst v0  }
0x2f: {  	[tilespmem:$0x9050] =	vst v0  }
0x30: {  	[tilespmem:$0x9060] =	vst v0  }
0x31: {  	[tilespmem:$0x9070] =	vst v0  }
0x32: {  	[tilespmem:$0x9080] =	vst v0  }
0x33: {  	[tilespmem:$0x9090] =	vst v0  }
0x34: {  	[tilespmem:$0x90A0] =	vst v0  }
0x35: {  	[tilespmem:$0x90B0] =	vst v0  }
0x36: {  	[tilespmem:$0x90C0] =	vst v0  }
0x37: {  	[tilespmem:$0x90D0] =	vst v0  }
0x38: {  	[tilespmem:$0x90E0] =	vst v0  }
0x39: {  	[tilespmem:$0x90F0] =	vst v0  }
0x3a: {  	[tilespmem:$0x9100] =	vst v0  }
0x3b: {  	[tilespmem:$0x9110] =	vst v0  }
0x3c: {  	[tilespmem:$0x9120] =	vst v0  }
0x3d: {  	[tilespmem:$0x9130] =	vst v0  }
0x3e: {  	[tilespmem:$0x9140] =	vst v0  }
0x3f: {  	[tilespmem:$0x9150] =	vst v0  }
0x40: {  	[tilespmem:$0x9160] =	vst v0  }
0x41: {  	[tilespmem:$0x9170] =	vst v0  }
0x42: {  	[tilespmem:$0x9180] =	vst v0  }
0x43: {  	[tilespmem:$0x9190] =	vst v0  }
0x44: {  	[tilespmem:$0x91A0] =	vst v0  }
0x45: {  	[tilespmem:$0x91B0] =	vst v0  }
0x46: {  	[tilespmem:$0x91C0] =	vst v0  }
0x47: {  	[tilespmem:$0x91D0] =	vst v0  }
0x48: {  	[tilespmem:$0x91E0] =	vst v0  }
0x49: {  	[tilespmem:$0x91F0] =	vst v0  }
0x4a: {  	[tilespmem:$0x9200] =	vst v0  }
0x4b: {  	[tilespmem:$0x9210] =	vst v0  }
0x4c: {  	[tilespmem:$0x9220] =	vst v0  }
0x4d: {  	[tilespmem:$0x9230] =	vst v0  }
0x4e: {  	[tilespmem:$0x9240] =	vst v0  }
0x4f: {  	[tilespmem:$0x9250] =	vst v0  }
0x50: {  	[tilespmem:$0x9260] =	vst v0  }
0x51: {  	[tilespmem:$0x9270] =	vst v0  }
0x52: {  	[tilespmem:$0x9280] =	vst v1  }
0x53: {  	[tilespmem:$0x9290] =	vst v1  }
0x54: {  	[tilespmem:$0x92A0] =	vst v1  }
0x55: {  	[tilespmem:$0x92B0] =	vst v1  }
0x56: {  	[tilespmem:$0x92C0] =	vst v1  }
0x57: {  	[tilespmem:$0x92D0] =	vst v1  }
0x58: {  	[tilespmem:$0x92E0] =	vst v1  }
0x59: {  	s0 =	simm.s32 $0x0;
	[tilespmem:$0x92F0] =	vst v1  }
0x5a: {  	[tilespmem:s0], [sflag:$0x2] =	stream.linear.gather [hbm4b:s6+s0], $0x2780, $0x38;
	[tilespmem:$0x1D580] =	vst v63  }
0x5b: {  	_ =	swait.ge [sflag:s21], $0x2780  }
0x5c: {  	[sflag:s21] =	ssyncset.done $0x0  }
0x5d: {  	s1 =	simm.s32 $0x2800;
	[sflag:s21] =	ssyncadd.s32 $0xFFFFD880  }
0x5e: {  	[tilespmem:s1], [sflag:$0x2] =	stream.linear.gather [hbm4b:s7+s0], $0x2780, $0x38;
	[tilespmem:$0x1D580] =	vst v63  }
0x5f: {  	_ =	swait.ge [sflag:s21], $0x2780  }
0x60: {  	[sflag:s21] =	ssyncset.done $0x0  }
0x61: {  	[sflag:s21] =	ssyncadd.s32 $0xFFFFD880  }
0x62: {  	[spmem:s8] =	stream.linear.scatter [tilespmem:s23], [sflag:$0x2], $0x4000, $0x38;
	[tilespmem:$0x1D580] =	vst v63  }
0x63: {  	_ =	swait.ge [sflag:s21], $0x4000  }
0x64: {  	[sflag:s21] =	ssyncset.done $0x0  }
0x65: {  	[sflag:s21] =	ssyncadd.s32 $0xFFFFC000  }
0x66: {  	[spmem:s9] =	stream.linear.scatter [tilespmem:s23], [sflag:$0x2], $0x4000, $0x38;
	[tilespmem:$0x1D580] =	vst v63  }
0x67: {  	_ =	swait.ge [sflag:s21], $0x4000  }
0x68: {  	[sflag:s21] =	ssyncset.done $0x0  }
0x69: {  	[sflag:s21] =	ssyncadd.s32 $0xFFFFC000  }
0x6a: {  	[spmem:s10] =	stream.linear.scatter [tilespmem:s23], [sflag:$0x2], $0x4000, $0x38;
	[tilespmem:$0x1D580] =	vst v63  }
0x6b: {  	_ =	swait.ge [sflag:s21], $0x4000  }
0x6c: {  	[sflag:s21] =	ssyncset.done $0x0  }
0x6d: {  	[sflag:s21] =	ssyncadd.s32 $0xFFFFC000  }
0x6e: {  	[spmem:s11] =	stream.linear.scatter [tilespmem:s23], [sflag:$0x2], $0x4000, $0x38;
	[tilespmem:$0x1D580] =	vst v63  }
0x6f: {  	_ =	swait.ge [sflag:s21], $0x4000  }
0x70: {  	[sflag:s21] =	ssyncset.done $0x0  }
0x71: {  	[sflag:s21] =	ssyncadd.s32 $0xFFFFC000  }
0x72: {  	[spmem:s12] =	stream.linear.scatter [tilespmem:s23], [sflag:$0x2], $0x4000, $0x38;
	[tilespmem:$0x1D580] =	vst v63  }
0x73: {  	_ =	swait.ge [sflag:s21], $0x4000  }
0x74: {  	[sflag:s21] =	ssyncset.done $0x0  }
0x75: {  	[sflag:s21] =	ssyncadd.s32 $0xFFFFC000  }
0x76: {  	[spmem:s13] =	stream.linear.scatter [tilespmem:s24], [sflag:$0x2], $0x280, $0x38;
	[tilespmem:$0x1D580] =	vst v63  }
0x77: {  	_ =	swait.ge [sflag:s21], $0x280  }
0x78: {  	[sflag:s21] =	ssyncset.done $0x0  }
0x79: {  	[sflag:s21] =	ssyncadd.s32 $0xFFFFFD80  }
0x7a: {  	s1 =	simm.s32 $0x0;
	[bflag:$0x0] =	sbarrier.arrive $0xFFFF  }
0x7b: {  	[tilespmem:s23], [sflag:$0x1] =	stream.indirect.gather [hbm4b:s5+s25], $0x80, s1, s25, $0xb8;
	[tilespmem:$0x1D580] =	vst v63  }
0x7c: {  	_ =	swait.ge [sflag:s26], $0x4000  }
0x7d: {  	[sflag:s26] =	ssyncset.done $0x0  }
0x7e: {  	s22 =	simm.s32 $0x2800;
	[sflag:s26] =	ssyncadd.s32 $0xFFFFC000  }
0x7f: {  	[spmem:s2] =	stream.indirect.scatter.add.f32 [tilespmem:s23], [sflag:$0x2], $0x80, s22, s25, $0xb8;
	[tilespmem:$0x1D580] =	vst v63  }
0x80: {  	_ =	swait.ge [sflag:s21], $0x4000  }
0x81: {  	[sflag:s21] =	ssyncset.done $0x0  }
0x82: {  	[sflag:s21] =	ssyncadd.s32 $0xFFFFC000  }
0x83: {  	[spmem:s3] =	stream.indirect.scatter.add.f32 [tilespmem:s28], [sflag:$0x2], $0x1, s22, s25, $0xb8;
	[tilespmem:$0x1D580] =	vst v63  }
0x84: {  	_ =	swait.ge [sflag:s21], $0x80  }
0x85: {  	s31 =	simm.s32 $0x200;
	s0 =	simm.s32 $0x400;
	[sflag:s21] =	ssyncset.done $0x0  }
.LBB2_4:
0x86: {  	s1 =	sshra.s32 s31, $0x2  }
0x87: {  	[sflag:s21] =	ssyncadd.s32 $0xFFFFFF80;
	s31 =	smov.u32 s0;
	s22 =	sadd.s32 $0x200, s0  }
0x88: {  	[tilespmem:s23], [sflag:$0x1] =	stream.indirect.gather [hbm4b:s5+s25], $0x80, s1, s25, $0xb8;
	[tilespmem:$0x1D580] =	vst v63  }
0x89: {  	p0 =	sne.s32 s0, $0x9C00;
	_ =	swait.ge [sflag:s26], $0x4000  }
0x8a: {  	[sflag:s26] =	ssyncset.done $0x0  }
0x8b: {  	s0 =	sadd.s32 $0x2800, s1;
	[sflag:s26] =	ssyncadd.s32 $0xFFFFC000  }
0x8c: {  	[spmem:s2] =	stream.indirect.scatter.add.f32 [tilespmem:s23], [sflag:$0x2], $0x80, s0, s25, $0xb8;
	[tilespmem:$0x1D580] =	vst v63  }
0x8d: {  	_ =	swait.ge [sflag:s21], $0x4000  }
.Ltmp1:
0x8e: {  	[sflag:s21] =	ssyncset.done $0x0;
	(pc) =	sbr.rel @p0 .LBB2_4-.Ltmp1, $4  }
0x8f: {  	[sflag:s21] =	ssyncadd.s32 $0xFFFFC000  }
0x90: {  	[spmem:s3] =	stream.indirect.scatter.add.f32 [tilespmem:s28], [sflag:$0x2], $0x1, s0, s25, $0xb8;
	[tilespmem:$0x1D580] =	vst v63  }
0x91: {  	_ =	swait.ge [sflag:s21], $0x80  }
0x92: {  	s0 =	smov.u32 s22;
	[sflag:s21] =	ssyncset.done $0x0  }
0x93: {  	s0 =	sshra.s32 s31, $0x2;
	[sflag:s21] =	ssyncadd.s32 $0xFFFFFF80  }
0x94: {  	[tilespmem:s23], [sflag:$0x1] =	stream.indirect.gather [hbm4b:s5+s25], $0x80, s0, s25, $0xb8;
	[tilespmem:$0x1D580] =	vst v63  }
0x95: {  	_ =	swait.ge [sflag:s26], $0x4000  }
0x96: {  	[sflag:s26] =	ssyncset.done $0x0  }
0x97: {  	s0 =	sadd.s32 $0x2800, s0;
	[sflag:s26] =	ssyncadd.s32 $0xFFFFC000  }
0x98: {  	[spmem:s2] =	stream.indirect.scatter.add.f32 [tilespmem:s23], [sflag:$0x2], $0x80, s0, s25, $0xb8;
	[tilespmem:$0x1D580] =	vst v63  }
0x99: {  	_ =	swait.ge [sflag:s21], $0x4000  }
0x9a: {  	[sflag:s21] =	ssyncset.done $0x0  }
0x9b: {  	[sflag:s21] =	ssyncadd.s32 $0xFFFFC000  }
0x9c: {  	[spmem:s3] =	stream.indirect.scatter.add.f32 [tilespmem:s28], [sflag:$0x2], $0x1, s0, s25, $0xb8;
	[tilespmem:$0x1D580] =	vst v63  }
0x9d: {  	_ =	swait.ge [sflag:s21], $0x80  }
0x9e: {  	[sflag:s21] =	ssyncset.done $0x0  }
0x9f: {  	[sflag:s21] =	ssyncadd.s32 $0xFFFFFF80  }
0xa0: {  	[bflag:$0x0] =	sbarrier.arrive $0xFFFF  }
0xa1: {  	[tilespmem:s23], [sflag:$0x2] =	stream.linear.gather [spmem:s8], $0x4000, $0x38;
	[tilespmem:$0x1D580] =	vst v63  }
0xa2: {  	_ =	swait.ge [sflag:s21], $0x4000  }
0xa3: {  	[sflag:s21] =	ssyncset.done $0x0  }
0xa4: {  	[sflag:s21] =	ssyncadd.s32 $0xFFFFC000  }
0xa5: {  	[hbm4b:s14+s4] =	stream.linear.scatter [tilespmem:s23], [sflag:$0x2], $0x4000, $0x38;
	[tilespmem:$0x1D580] =	vst v63  }
0xa6: {  	_ =	swait.ge [sflag:s21], $0x4000  }
0xa7: {  	[sflag:s21] =	ssyncset.done $0x0  }
0xa8: {  	[sflag:s21] =	ssyncadd.s32 $0xFFFFC000  }
0xa9: {  	[tilespmem:s23], [sflag:$0x2] =	stream.linear.gather [spmem:s9], $0x4000, $0x38;
	[tilespmem:$0x1D580] =	vst v63  }
0xaa: {  	_ =	swait.ge [sflag:s21], $0x4000  }
0xab: {  	[sflag:s21] =	ssyncset.done $0x0  }
0xac: {  	[sflag:s21] =	ssyncadd.s32 $0xFFFFC000  }
0xad: {  	[hbm4b:s15+s4] =	stream.linear.scatter [tilespmem:s23], [sflag:$0x2], $0x4000, $0x38;
	[tilespmem:$0x1D580] =	vst v63  }
0xae: {  	_ =	swait.ge [sflag:s21], $0x4000  }
0xaf: {  	[sflag:s21] =	ssyncset.done $0x0  }
0xb0: {  	[sflag:s21] =	ssyncadd.s32 $0xFFFFC000  }
0xb1: {  	[tilespmem:s23], [sflag:$0x2] =	stream.linear.gather [spmem:s10], $0x4000, $0x38;
	[tilespmem:$0x1D580] =	vst v63  }
0xb2: {  	_ =	swait.ge [sflag:s21], $0x4000  }
0xb3: {  	[sflag:s21] =	ssyncset.done $0x0  }
0xb4: {  	[sflag:s21] =	ssyncadd.s32 $0xFFFFC000  }
0xb5: {  	[hbm4b:s16+s4] =	stream.linear.scatter [tilespmem:s23], [sflag:$0x2], $0x4000, $0x38;
	[tilespmem:$0x1D580] =	vst v63  }
0xb6: {  	_ =	swait.ge [sflag:s21], $0x4000  }
0xb7: {  	[sflag:s21] =	ssyncset.done $0x0  }
0xb8: {  	[sflag:s21] =	ssyncadd.s32 $0xFFFFC000  }
0xb9: {  	[tilespmem:s23], [sflag:$0x2] =	stream.linear.gather [spmem:s11], $0x4000, $0x38;
	[tilespmem:$0x1D580] =	vst v63  }
0xba: {  	_ =	swait.ge [sflag:s21], $0x4000  }
0xbb: {  	[sflag:s21] =	ssyncset.done $0x0  }
0xbc: {  	[sflag:s21] =	ssyncadd.s32 $0xFFFFC000  }
0xbd: {  	[hbm4b:s17+s4] =	stream.linear.scatter [tilespmem:s23], [sflag:$0x2], $0x4000, $0x38;
	[tilespmem:$0x1D580] =	vst v63  }
0xbe: {  	_ =	swait.ge [sflag:s21], $0x4000  }
0xbf: {  	[sflag:s21] =	ssyncset.done $0x0  }
0xc0: {  	[sflag:s21] =	ssyncadd.s32 $0xFFFFC000  }
0xc1: {  	[tilespmem:s23], [sflag:$0x2] =	stream.linear.gather [spmem:s12], $0x4000, $0x38;
	[tilespmem:$0x1D580] =	vst v63  }
0xc2: {  	_ =	swait.ge [sflag:s21], $0x4000  }
0xc3: {  	[sflag:s21] =	ssyncset.done $0x0  }
0xc4: {  	[sflag:s21] =	ssyncadd.s32 $0xFFFFC000  }
0xc5: {  	[hbm4b:s18+s4] =	stream.linear.scatter [tilespmem:s23], [sflag:$0x2], $0x4000, $0x38;
	[tilespmem:$0x1D580] =	vst v63  }
0xc6: {  	_ =	swait.ge [sflag:s21], $0x4000  }
0xc7: {  	[sflag:s21] =	ssyncset.done $0x0  }
0xc8: {  	[sflag:s21] =	ssyncadd.s32 $0xFFFFC000  }
0xc9: {  	[tilespmem:s24], [sflag:$0x2] =	stream.linear.gather [spmem:s13], $0x280, $0x38;
	[tilespmem:$0x1D580] =	vst v63  }
0xca: {  	s30 =	sadd.s32 $0x1, s30;
	_ =	swait.ge [sflag:s21], $0x280  }
0xcb: {  	p0 =	sne.s32 s30, s20;
	[sflag:s21] =	ssyncset.done $0x0  }
.Ltmp2:
0xcc: {  	[sflag:s21] =	ssyncadd.s32 $0xFFFFFD80;
	(pc) =	sbr.rel @p0 .LBB2_1-.Ltmp2, $4  }
0xcd: {  	[hbm4b:s19+s25] =	stream.strided.scatter [tilespmem:s24], [sflag:$0x2], $0x280, s29, s25, $0x38;
	[tilespmem:$0x1D580] =	vst v63  }
0xce: {  	_ =	swait.ge [sflag:s21], $0x280  }
0xcf: {  	[sflag:s21] =	ssyncset.done $0x0  }
0xd0: {  	[sflag:s21] =	ssyncadd.s32 $0xFFFFFD80  }
0xd1: {  	_ =	sfence.sel $0x180000  }
0xd2: {  	[bflag:$0x0] =	sbarrier.arrive $0xFFFF  }
0xd3: {  	_ =	strace $0x90000047  }
0xd4: {  	s0 =	stileid.u32;
	[bflag:$0x2] =	sbarrier.arrive $0xFFFF  }
0xd5: {  	p0 =	sne.s32 s0, $0x0;
	s0 =	rddreg [dreg:$0x4]  }
0xd6: {  	s0 =	sadd.s32 @!p0 $0x100000, s0  }
0xd7: {  	[sflag:s0] =	ssyncadd.tile.s32 @!p0 $0x1;
	_ =	shalt  }
.Lfunc_end2:
_tile_overlayer_lowered:
.L_overlay_start_2:
0xd8: {  	(tag) =	ssettag $0x2  }
0xd9: {  	s0 =	rddreg [dreg:$0x0];
	s2 =	stileid.u32  }
0xda: {  	s1 =	rddreg [dreg:$0x1];
	p0 =	sne.s32 s2, $0x0  }
0xdb: {  	s3 =	rddreg [dreg:$0x2];
	[bflag:$0x3] =	sbarrier.arrive $0xFFFF;
	s2 =	simm.s32 @!p0 $0x1C02  }
0xdc: {  	[timem:s3], [sflag:s2] =	dma.local @!p0 [hbm:s0], s1  }
0xdd: {  	s0 =	simm.s32 @!p0 $0x2  }
0xde: {  	_ =	swait.ge @!p0 [sflag:s0], s1  }
0xdf: {  	s1 =	ssub.s32 @!p0 $0x0, s1;
	[sflag:s0] =	ssyncset.done @!p0 $0x0  }
0xe0: {  	[sflag:s0] =	ssyncadd.s32 @!p0 s1  }
0xe1: {  	[bflag:$0x3] =	sbarrier.arrive $0xFFFF  }
0xe2: {  	_ =	shalt  }

</sc_bundles>
